<compile_context>
chip_gen: v7x
topology: tpu7x:2x2x1
jax: 0.10.2.dev20260603
libtpu: 0.0.44.dev20260713+nightly
codegen_flags: <defaults>
</compile_context>

<pallas_src>
import functools
import math

import jax
import jax.numpy as jnp
from jax import lax
from jax.experimental import pallas as pl
from jax.experimental.pallas import tpu as pltpu
from jax.experimental.pallas import tpu_sc as plsc

S = 64.0
MARGIN = 0.5
COS_M = math.cos(MARGIN)
SIN_M = math.sin(MARGIN)
CLIP = 0.999999

_RPW = 32
_RPC = 512


def _margin_vec(x):
    t = jnp.clip(x, -CLIP, CLIP)
    a = 1.0 - t * t
    c = math.sqrt(2.0)
    y = jnp.full((16,), jnp.float32(c))
    for k in range(1, 11):
        y = jnp.where(
            a < jnp.float32(4.0 ** -k),
            jnp.full((16,), jnp.float32(c * 2.0**k)),
            y,
        )
    for _ in range(5):
        y = y * (1.5 - 0.5 * a * y * y)
    return (S * COS_M) * t - (S * SIN_M) * (a * y)


def _sc_margin_body(cos_hbm, lab_hbm, out_hbm, lab_v, win_v, m_v, sem, osem):
    cid = lax.axis_index("c")
    sid = lax.axis_index("s")
    base = cid * _RPC + sid * _RPW
    pltpu.sync_copy(lab_hbm, lab_v.at[pl.ds(0, 1024)])

    def band(g, carry):
        band_row = pl.multiple_of(base + g * 8, 8)
        lab16 = lab_v[pl.ds(band_row, 16)]
        labs = [lab16[i] for i in range(8)]
        cs = [pl.multiple_of((l >> 7) << 7, 128) for l in labs]
        in_copies = [
            pltpu.async_copy(
                cos_hbm.at[pl.ds(band_row, 8), pl.ds(cs[j], 128)],
                win_v.at[j], sem,
            )
            for j in range(8)
        ]
        for cp in in_copies:
            cp.wait()
        for j in range(8):
            o_j = pl.multiple_of(((labs[j] & 127) >> 4) << 4, 16)
            tv = win_v[j, j, pl.ds(o_j, 16)]
            m_v[pl.ds(j * 16, 16)] = _margin_vec(tv)
        pltpu.async_copy(
            m_v, out_hbm.at[pl.ds(pl.multiple_of(band_row * 16, 128), 128)], osem
        ).wait()
        return carry

    lax.fori_loop(0, _RPW // 8, band, 0)


def _sc_margins(cosine, labels):
    B = labels.shape[0]
    mesh = plsc.VectorSubcoreMesh(core_axis_name="c", subcore_axis_name="s")
    f = functools.partial(
        pl.kernel,
        out_type=jax.ShapeDtypeStruct((B * 16,), jnp.float32),
        mesh=mesh,
        scratch_types=[
            pltpu.VMEM((1040,), jnp.int32),
            pltpu.VMEM((8, 8, 128), jnp.float32),
            pltpu.VMEM((128,), jnp.float32),
            pltpu.SemaphoreType.DMA,
            pltpu.SemaphoreType.DMA,
        ],
    )(_sc_margin_body)
    return f(cosine, labels)


def _dense_body(lab_ref, marg_ref, x_ref, o_ref):
    j = pl.program_id(1)
    bn = x_ref.shape[1]
    x = x_ref[...]
    xc = jnp.clip(x, -CLIP, CLIP)
    lab = lab_ref[0, 0, :]
    m16 = marg_ref[0, :, :]
    lane16 = jax.lax.broadcasted_iota(jnp.int32, m16.shape, 1)
    tgt_m = jnp.sum(
        jnp.where(lane16 == (lab[:, None] & 15), m16, 0.0), axis=1
    )
    col = jax.lax.broadcasted_iota(jnp.int32, x.shape, 1) + j * bn
    mask = col == lab[:, None]
    o_ref[...] = jnp.where(mask, tgt_m[:, None], xc * S)


def kernel(cosine, labels):
    B, N = cosine.shape
    margins = _sc_margins(cosine, labels).reshape(B, 16)
    BM = 256
    BN = 4096
    grid = (B // BM, pl.cdiv(N, BN))
    labels3 = labels.reshape(B // BM, 1, BM)
    margins3 = margins.reshape(B // BM, BM, 16)
    return pl.pallas_call(
        _dense_body,
        grid=grid,
        in_specs=[
            pl.BlockSpec((1, 1, BM), lambda i, j: (i, 0, 0)),
            pl.BlockSpec((1, BM, 16), lambda i, j: (i, 0, 0)),
            pl.BlockSpec((BM, BN), lambda i, j: (i, j)),
        ],
        out_specs=pl.BlockSpec((BM, BN), lambda i, j: (i, j)),
        out_shape=jax.ShapeDtypeStruct((B, N), jnp.float32),
    )(labels3, margins3, cosine)

# --- scband reference (transcript-rebuilt; emitter-appended) ---
"""Pipeline reference for scband-arc-face-33784212750890 (READ-ONLY COPY).

The authoritative reference and input builder live on the scoring server;
editing this copy changes nothing except your own understanding.
"""

import jax, jax.numpy as jnp
import numpy as np

S = 64.0
MARGIN = 0.5
NUM_CLASSES = 100000
BATCH = 1024

def setup_inputs(seed: int = 0) -> dict:
    key = jax.random.key(seed)
    k1, k2 = jax.random.split(key)
    # cosine similarities in a safe open interval so arccos grads stay finite
    cosine = jax.random.uniform(k1, (BATCH, NUM_CLASSES), dtype=jnp.float32)
    labels = jax.random.randint(k2, (BATCH,), 0, NUM_CLASSES, dtype=jnp.int32)
    return {"cosine": cosine, "labels": labels}

def reference(cosine, labels):
    B = cosine.shape[0]
    rows = jnp.arange(B)
    # index = where(labels != -1); emulate with a validity mask (jit-friendly)
    valid = labels != -1
    safe_labels = jnp.where(valid, labels, 0)
    # target_logit = cosine[index, labels[index]]
    target_logit = cosine[rows, safe_labels]
    # cosine.arccos_()  (clip for numerical safety, matches domain of valid cosines)
    angles = jnp.arccos(jnp.clip(cosine, -0.999999, 0.999999))
    # final_target_logit = arccos(target_logit) + margin
    final_target = jnp.arccos(jnp.clip(target_logit, -0.999999, 0.999999)) + MARGIN
    current = angles[rows, safe_labels]
    new_vals = jnp.where(valid, final_target, current)
    angles = angles.at[rows, safe_labels].set(new_vals)
    # cosine.cos_(); cosine = cosine * s
    out = jnp.cos(angles) * S
    return out

if __name__ == "__main__":
    import jax
    _d = setup_inputs()
    print(jax.jit(kernel)(*tuple(_d.values())))

</pallas_src>

<mosaic_0001>
#map = affine_map<(d0, d1) -> (0, 0)>
#map1 = affine_map<(d0, d1) -> (0)>
module attributes {stable_mosaic.version = 14 : i64} {
  func.func @_sc_margin_body(%arg0: i32, %arg1: i32, %arg2: memref<1024x100000xf32, #tpu.memory_space<hbm>>, %arg3: memref<1024xi32, #tpu.memory_space<hbm>>, %arg4: memref<16384xf32, #tpu.memory_space<hbm>>, %arg5: memref<1040xi32, #tpu.memory_space<vmem>>, %arg6: memref<8x8x128xf32, #tpu.memory_space<vmem>>, %arg7: memref<128xf32, #tpu.memory_space<vmem>>, %arg8: memref<!tpu.dma_semaphore, #tpu.memory_space<semaphore_mem>>, %arg9: memref<!tpu.dma_semaphore, #tpu.memory_space<semaphore_mem>>) attributes {dimension_semantics = [#tpu.dimension_semantics<core_parallel>, #tpu.dimension_semantics<subcore_parallel>], iteration_bounds = array<i64: 2, 16>, scalar_prefetch = 0 : i64, scratch_operands = 5 : i64, tpu.core_type = #tpu.core_type<sc_vector_subcore>, window_params = [{transform_indices = #map}, {transform_indices = #map1}, {transform_indices = #map1}]} {
    %mul3A = arith.constant 512 : i32
    %mul3A_0 = arith.muli %arg0, %mul3A : i32
    %mul3A_1 = arith.constant 32 : i32
    %mul3A_2 = arith.muli %arg1, %mul3A_1 : i32
    %add3A = arith.addi %mul3A_0, %mul3A_2 : i32
    "tpu.region"() ({
      %run_scoped3A = tpu.sem_alloc : memref<!tpu.dma_semaphore, #tpu.memory_space<semaphore_mem>>
      %dma_start3A = arith.constant 0 : i32
      %dma_start3A_8 = tpu.memref_slice %arg5[%dma_start3A] : memref<1040xi32, #tpu.memory_space<vmem>> -> memref<1024xi32, #tpu.memory_space<vmem>>
      %dma_start3A_9 = arith.constant 0 : i32
      %dma_start3A_10 = tpu.memref_slice %arg5[%dma_start3A_9] : memref<1040xi32, #tpu.memory_space<vmem>> -> memref<1024xi32, #tpu.memory_space<vmem>>
      tpu.enqueue_dma source(%arg3 : memref<1024xi32, #tpu.memory_space<hbm>>) target(%dma_start3A_10 : memref<1024xi32, #tpu.memory_space<vmem>>) target_semaphore(%run_scoped3A : memref<!tpu.dma_semaphore, #tpu.memory_space<semaphore_mem>>)
      %dma_wait3A = arith.constant 0 : i32
      %dma_wait3A_11 = tpu.memref_slice %arg5[%dma_wait3A] : memref<1040xi32, #tpu.memory_space<vmem>> -> memref<1024xi32, #tpu.memory_space<vmem>>
      %dma_wait3A_12 = arith.constant 0 : i32
      %dma_wait3A_13 = tpu.memref_slice %arg5[%dma_wait3A_12] : memref<1040xi32, #tpu.memory_space<vmem>> -> memref<1024xi32, #tpu.memory_space<vmem>>
      tpu.wait_dma2 semaphore(%run_scoped3A : memref<!tpu.dma_semaphore, #tpu.memory_space<semaphore_mem>>) src(%arg3 : memref<1024xi32, #tpu.memory_space<hbm>>) dst(%dma_wait3A_13 : memref<1024xi32, #tpu.memory_space<vmem>>)
      tpu.yield
    }) : () -> ()
    %scan3A = arith.constant 0 : i32
    %scan3A_3 = arith.constant 0 : i32
    %scan3A_4 = arith.constant 4 : i32
    %scan3A_5 = arith.addi %scan3A_3, %scan3A_4 : i32
    %scan3A_6 = arith.constant 1 : i32
    scf.for %scan3A_8 = %scan3A_3 to %scan3A_5 step %scan3A_6  : i32 {
      %mul3A_9 = arith.constant 8 : i32
      %mul3A_10 = arith.muli %scan3A_8, %mul3A_9 : i32
      %add3A_11 = arith.addi %add3A, %mul3A_10 : i32
      %multiple_of3A = tpu.assume_multiple %add3A_11, 8 : i32
      %get3A = arith.index_cast %multiple_of3A : i32 to index
      %get3A_12 = tpu.vector_load %arg5[%get3A] {strides = array<i32>} : memref<1040xi32, #tpu.memory_space<vmem>>, vector<16xi32>,
      %get3A_13 = vector.shape_cast %get3A_12 : vector<16xi32> to vector<16xi32>
      %slice3A = vector.extract_strided_slice %get3A_13 {offsets = [0], sizes = [1], strides = [1]} : vector<16xi32> to vector<1xi32>
      %squeeze3A = vector.extract %slice3A[0] : i32 from vector<1xi32>
      %slice3A_14 = vector.extract_strided_slice %get3A_13 {offsets = [1], sizes = [1], strides = [1]} : vector<16xi32> to vector<1xi32>
      %squeeze3A_15 = vector.extract %slice3A_14[0] : i32 from vector<1xi32>
      %slice3A_16 = vector.extract_strided_slice %get3A_13 {offsets = [2], sizes = [1], strides = [1]} : vector<16xi32> to vector<1xi32>
      %squeeze3A_17 = vector.extract %slice3A_16[0] : i32 from vector<1xi32>
      %slice3A_18 = vector.extract_strided_slice %get3A_13 {offsets = [3], sizes = [1], strides = [1]} : vector<16xi32> to vector<1xi32>
      %squeeze3A_19 = vector.extract %slice3A_18[0] : i32 from vector<1xi32>
      %slice3A_20 = vector.extract_strided_slice %get3A_13 {offsets = [4], sizes = [1], strides = [1]} : vector<16xi32> to vector<1xi32>
      %squeeze3A_21 = vector.extract %slice3A_20[0] : i32 from vector<1xi32>
      %slice3A_22 = vector.extract_strided_slice %get3A_13 {offsets = [5], sizes = [1], strides = [1]} : vector<16xi32> to vector<1xi32>
      %squeeze3A_23 = vector.extract %slice3A_22[0] : i32 from vector<1xi32>
      %slice3A_24 = vector.extract_strided_slice %get3A_13 {offsets = [6], sizes = [1], strides = [1]} : vector<16xi32> to vector<1xi32>
      %squeeze3A_25 = vector.extract %slice3A_24[0] : i32 from vector<1xi32>
      %slice3A_26 = vector.extract_strided_slice %get3A_13 {offsets = [7], sizes = [1], strides = [1]} : vector<16xi32> to vector<1xi32>
      %squeeze3A_27 = vector.extract %slice3A_26[0] : i32 from vector<1xi32>
      %shift_right_arithmetic3A = arith.constant 7 : i32
      %shift_right_arithmetic3A_28 = arith.shrsi %squeeze3A, %shift_right_arithmetic3A : i32
      %shift_left3A = arith.constant 7 : i32
      %shift_left3A_29 = arith.shli %shift_right_arithmetic3A_28, %shift_left3A : i32
      %multiple_of3A_30 = tpu.assume_multiple %shift_left3A_29, 128 : i32
      %shift_right_arithmetic3A_31 = arith.constant 7 : i32
      %shift_right_arithmetic3A_32 = arith.shrsi %squeeze3A_15, %shift_right_arithmetic3A_31 : i32
      %shift_left3A_33 = arith.constant 7 : i32
      %shift_left3A_34 = arith.shli %shift_right_arithmetic3A_32, %shift_left3A_33 : i32
      %multiple_of3A_35 = tpu.assume_multiple %shift_left3A_34, 128 : i32
      %shift_right_arithmetic3A_36 = arith.constant 7 : i32
      %shift_right_arithmetic3A_37 = arith.shrsi %squeeze3A_17, %shift_right_arithmetic3A_36 : i32
      %shift_left3A_38 = arith.constant 7 : i32
      %shift_left3A_39 = arith.shli %shift_right_arithmetic3A_37, %shift_left3A_38 : i32
      %multiple_of3A_40 = tpu.assume_multiple %shift_left3A_39, 128 : i32
      %shift_right_arithmetic3A_41 = arith.constant 7 : i32
      %shift_right_arithmetic3A_42 = arith.shrsi %squeeze3A_19, %shift_right_arithmetic3A_41 : i32
      %shift_left3A_43 = arith.constant 7 : i32
      %shift_left3A_44 = arith.shli %shift_right_arithmetic3A_42, %shift_left3A_43 : i32
      %multiple_of3A_45 = tpu.assume_multiple %shift_left3A_44, 128 : i32
      %shift_right_arithmetic3A_46 = arith.constant 7 : i32
      %shift_right_arithmetic3A_47 = arith.shrsi %squeeze3A_21, %shift_right_arithmetic3A_46 : i32
      %shift_left3A_48 = arith.constant 7 : i32
      %shift_left3A_49 = arith.shli %shift_right_arithmetic3A_47, %shift_left3A_48 : i32
      %multiple_of3A_50 = tpu.assume_multiple %shift_left3A_49, 128 : i32
      %shift_right_arithmetic3A_51 = arith.constant 7 : i32
      %shift_right_arithmetic3A_52 = arith.shrsi %squeeze3A_23, %shift_right_arithmetic3A_51 : i32
      %shift_left3A_53 = arith.constant 7 : i32
      %shift_left3A_54 = arith.shli %shift_right_arithmetic3A_52, %shift_left3A_53 : i32
      %multiple_of3A_55 = tpu.assume_multiple %shift_left3A_54, 128 : i32
      %shift_right_arithmetic3A_56 = arith.constant 7 : i32
      %shift_right_arithmetic3A_57 = arith.shrsi %squeeze3A_25, %shift_right_arithmetic3A_56 : i32
      %shift_left3A_58 = arith.constant 7 : i32
      %shift_left3A_59 = arith.shli %shift_right_arithmetic3A_57, %shift_left3A_58 : i32
      %multiple_of3A_60 = tpu.assume_multiple %shift_left3A_59, 128 : i32
      %shift_right_arithmetic3A_61 = arith.constant 7 : i32
      %shift_right_arithmetic3A_62 = arith.shrsi %squeeze3A_27, %shift_right_arithmetic3A_61 : i32
      %shift_left3A_63 = arith.constant 7 : i32
      %shift_left3A_64 = arith.shli %shift_right_arithmetic3A_62, %shift_left3A_63 : i32
      %multiple_of3A_65 = tpu.assume_multiple %shift_left3A_64, 128 : i32
      %dma_start3A = arith.constant 0 : i32
      %dma_start3A_66 = arith.constant 0 : i32
      %dma_start3A_67 = arith.constant 0 : i32
      %dma_start3A_68 = tpu.memref_slice %arg6[%dma_start3A, %dma_start3A_66, %dma_start3A_67] : memref<8x8x128xf32, #tpu.memory_space<vmem>> -> memref<1x8x128xf32, #tpu.memory_space<vmem>>
      %dma_start3A_69 = tpu.memref_squeeze %dma_start3A_68 : memref<1x8x128xf32, #tpu.memory_space<vmem>> -> memref<8x128xf32, #tpu.memory_space<vmem>>
      %dma_start3A_70 = tpu.memref_slice %arg2[%multiple_of3A, %multiple_of3A_30] : memref<1024x100000xf32, #tpu.memory_space<hbm>> -> memref<8x128xf32, #tpu.memory_space<hbm>>
      %dma_start3A_71 = arith.constant 0 : i32
      %dma_start3A_72 = arith.constant 0 : i32
      %dma_start3A_73 = tpu.memref_slice %arg6[%dma_start3A, %dma_start3A_71, %dma_start3A_72] : memref<8x8x128xf32, #tpu.memory_space<vmem>> -> memref<1x8x128xf32, #tpu.memory_space<vmem>>
      %dma_start3A_74 = tpu.memref_squeeze %dma_start3A_73 : memref<1x8x128xf32, #tpu.memory_space<vmem>> -> memref<8x128xf32, #tpu.memory_space<vmem>>
      %dma_start3A_75 = tpu.memref_slice %arg2[%multiple_of3A, %multiple_of3A_30] : memref<1024x100000xf32, #tpu.memory_space<hbm>> -> memref<8x128xf32, #tpu.memory_space<hbm>>
      tpu.enqueue_dma source(%dma_start3A_75 : memref<8x128xf32, #tpu.memory_space<hbm>>) target(%dma_start3A_74 : memref<8x128xf32, #tpu.memory_space<vmem>>) target_semaphore(%arg8 : memref<!tpu.dma_semaphore, #tpu.memory_space<semaphore_mem>>)
      %dma_start3A_76 = arith.constant 1 : i32
      %dma_start3A_77 = arith.constant 0 : i32
      %dma_start3A_78 = arith.constant 0 : i32
      %dma_start3A_79 = tpu.memref_slice %arg6[%dma_start3A_76, %dma_start3A_77, %dma_start3A_78] : memref<8x8x128xf32, #tpu.memory_space<vmem>> -> memref<1x8x128xf32, #tpu.memory_space<vmem>>
      %dma_start3A_80 = tpu.memref_squeeze %dma_start3A_79 : memref<1x8x128xf32, #tpu.memory_space<vmem>> -> memref<8x128xf32, #tpu.memory_space<vmem>>
      %dma_start3A_81 = tpu.memref_slice %arg2[%multiple_of3A, %multiple_of3A_35] : memref<1024x100000xf32, #tpu.memory_space<hbm>> -> memref<8x128xf32, #tpu.memory_space<hbm>>
      %dma_start3A_82 = arith.constant 0 : i32
      %dma_start3A_83 = arith.constant 0 : i32
      %dma_start3A_84 = tpu.memref_slice %arg6[%dma_start3A_76, %dma_start3A_82, %dma_start3A_83] : memref<8x8x128xf32, #tpu.memory_space<vmem>> -> memref<1x8x128xf32, #tpu.memory_space<vmem>>
      %dma_start3A_85 = tpu.memref_squeeze %dma_start3A_84 : memref<1x8x128xf32, #tpu.memory_space<vmem>> -> memref<8x128xf32, #tpu.memory_space<vmem>>
      %dma_start3A_86 = tpu.memref_slice %arg2[%multiple_of3A, %multiple_of3A_35] : memref<1024x100000xf32, #tpu.memory_space<hbm>> -> memref<8x128xf32, #tpu.memory_space<hbm>>
      tpu.enqueue_dma source(%dma_start3A_86 : memref<8x128xf32, #tpu.memory_space<hbm>>) target(%dma_start3A_85 : memref<8x128xf32, #tpu.memory_space<vmem>>) target_semaphore(%arg8 : memref<!tpu.dma_semaphore, #tpu.memory_space<semaphore_mem>>)
      %dma_start3A_87 = arith.constant 2 : i32
      %dma_start3A_88 = arith.constant 0 : i32
      %dma_start3A_89 = arith.constant 0 : i32
      %dma_start3A_90 = tpu.memref_slice %arg6[%dma_start3A_87, %dma_start3A_88, %dma_start3A_89] : memref<8x8x128xf32, #tpu.memory_space<vmem>> -> memref<1x8x128xf32, #tpu.memory_space<vmem>>
      %dma_start3A_91 = tpu.memref_squeeze %dma_start3A_90 : memref<1x8x128xf32, #tpu.memory_space<vmem>> -> memref<8x128xf32, #tpu.memory_space<vmem>>
      %dma_start3A_92 = tpu.memref_slice %arg2[%multiple_of3A, %multiple_of3A_40] : memref<1024x100000xf32, #tpu.memory_space<hbm>> -> memref<8x128xf32, #tpu.memory_space<hbm>>
      %dma_start3A_93 = arith.constant 0 : i32
      %dma_start3A_94 = arith.constant 0 : i32
      %dma_start3A_95 = tpu.memref_slice %arg6[%dma_start3A_87, %dma_start3A_93, %dma_start3A_94] : memref<8x8x128xf32, #tpu.memory_space<vmem>> -> memref<1x8x128xf32, #tpu.memory_space<vmem>>
      %dma_start3A_96 = tpu.memref_squeeze %dma_start3A_95 : memref<1x8x128xf32, #tpu.memory_space<vmem>> -> memref<8x128xf32, #tpu.memory_space<vmem>>
      %dma_start3A_97 = tpu.memref_slice %arg2[%multiple_of3A, %multiple_of3A_40] : memref<1024x100000xf32, #tpu.memory_space<hbm>> -> memref<8x128xf32, #tpu.memory_space<hbm>>
      tpu.enqueue_dma source(%dma_start3A_97 : memref<8x128xf32, #tpu.memory_space<hbm>>) target(%dma_start3A_96 : memref<8x128xf32, #tpu.memory_space<vmem>>) target_semaphore(%arg8 : memref<!tpu.dma_semaphore, #tpu.memory_space<semaphore_mem>>)
      %dma_start3A_98 = arith.constant 3 : i32
      %dma_start3A_99 = arith.constant 0 : i32
      %dma_start3A_100 = arith.constant 0 : i32
      %dma_start3A_101 = tpu.memref_slice %arg6[%dma_start3A_98, %dma_start3A_99, %dma_start3A_100] : memref<8x8x128xf32, #tpu.memory_space<vmem>> -> memref<1x8x128xf32, #tpu.memory_space<vmem>>
      %dma_start3A_102 = tpu.memref_squeeze %dma_start3A_101 : memref<1x8x128xf32, #tpu.memory_space<vmem>> -> memref<8x128xf32, #tpu.memory_space<vmem>>
      %dma_start3A_103 = tpu.memref_slice %arg2[%multiple_of3A, %multiple_of3A_45] : memref<1024x100000xf32, #tpu.memory_space<hbm>> -> memref<8x128xf32, #tpu.memory_space<hbm>>
      %dma_start3A_104 = arith.constant 0 : i32
      %dma_start3A_105 = arith.constant 0 : i32
      %dma_start3A_106 = tpu.memref_slice %arg6[%dma_start3A_98, %dma_start3A_104, %dma_start3A_105] : memref<8x8x128xf32, #tpu.memory_space<vmem>> -> memref<1x8x128xf32, #tpu.memory_space<vmem>>
      %dma_start3A_107 = tpu.memref_squeeze %dma_start3A_106 : memref<1x8x128xf32, #tpu.memory_space<vmem>> -> memref<8x128xf32, #tpu.memory_space<vmem>>
      %dma_start3A_108 = tpu.memref_slice %arg2[%multiple_of3A, %multiple_of3A_45] : memref<1024x100000xf32, #tpu.memory_space<hbm>> -> memref<8x128xf32, #tpu.memory_space<hbm>>
      tpu.enqueue_dma source(%dma_start3A_108 : memref<8x128xf32, #tpu.memory_space<hbm>>) target(%dma_start3A_107 : memref<8x128xf32, #tpu.memory_space<vmem>>) target_semaphore(%arg8 : memref<!tpu.dma_semaphore, #tpu.memory_space<semaphore_mem>>)
      %dma_start3A_109 = arith.constant 4 : i32
      %dma_start3A_110 = arith.constant 0 : i32
      %dma_start3A_111 = arith.constant 0 : i32
      %dma_start3A_112 = tpu.memref_slice %arg6[%dma_start3A_109, %dma_start3A_110, %dma_start3A_111] : memref<8x8x128xf32, #tpu.memory_space<vmem>> -> memref<1x8x128xf32, #tpu.memory_space<vmem>>
      %dma_start3A_113 = tpu.memref_squeeze %dma_start3A_112 : memref<1x8x128xf32, #tpu.memory_space<vmem>> -> memref<8x128xf32, #tpu.memory_space<vmem>>
      %dma_start3A_114 = tpu.memref_slice %arg2[%multiple_of3A, %multiple_of3A_50] : memref<1024x100000xf32, #tpu.memory_space<hbm>> -> memref<8x128xf32, #tpu.memory_space<hbm>>
      %dma_start3A_115 = arith.constant 0 : i32
      %dma_start3A_116 = arith.constant 0 : i32
      %dma_start3A_117 = tpu.memref_slice %arg6[%dma_start3A_109, %dma_start3A_115, %dma_start3A_116] : memref<8x8x128xf32, #tpu.memory_space<vmem>> -> memref<1x8x128xf32, #tpu.memory_space<vmem>>
      %dma_start3A_118 = tpu.memref_squeeze %dma_start3A_117 : memref<1x8x128xf32, #tpu.memory_space<vmem>> -> memref<8x128xf32, #tpu.memory_space<vmem>>
      %dma_start3A_119 = tpu.memref_slice %arg2[%multiple_of3A, %multiple_of3A_50] : memref<1024x100000xf32, #tpu.memory_space<hbm>> -> memref<8x128xf32, #tpu.memory_space<hbm>>
      tpu.enqueue_dma source(%dma_start3A_119 : memref<8x128xf32, #tpu.memory_space<hbm>>) target(%dma_start3A_118 : memref<8x128xf32, #tpu.memory_space<vmem>>) target_semaphore(%arg8 : memref<!tpu.dma_semaphore, #tpu.memory_space<semaphore_mem>>)
      %dma_start3A_120 = arith.constant 5 : i32
      %dma_start3A_121 = arith.constant 0 : i32
      %dma_start3A_122 = arith.constant 0 : i32
      %dma_start3A_123 = tpu.memref_slice %arg6[%dma_start3A_120, %dma_start3A_121, %dma_start3A_122] : memref<8x8x128xf32, #tpu.memory_space<vmem>> -> memref<1x8x128xf32, #tpu.memory_space<vmem>>
      %dma_start3A_124 = tpu.memref_squeeze %dma_start3A_123 : memref<1x8x128xf32, #tpu.memory_space<vmem>> -> memref<8x128xf32, #tpu.memory_space<vmem>>
      %dma_start3A_125 = tpu.memref_slice %arg2[%multiple_of3A, %multiple_of3A_55] : memref<1024x100000xf32, #tpu.memory_space<hbm>> -> memref<8x128xf32, #tpu.memory_space<hbm>>
      %dma_start3A_126 = arith.constant 0 : i32
      %dma_start3A_127 = arith.constant 0 : i32
      %dma_start3A_128 = tpu.memref_slice %arg6[%dma_start3A_120, %dma_start3A_126, %dma_start3A_127] : memref<8x8x128xf32, #tpu.memory_space<vmem>> -> memref<1x8x128xf32, #tpu.memory_space<vmem>>
      %dma_start3A_129 = tpu.memref_squeeze %dma_start3A_128 : memref<1x8x128xf32, #tpu.memory_space<vmem>> -> memref<8x128xf32, #tpu.memory_space<vmem>>
      %dma_start3A_130 = tpu.memref_slice %arg2[%multiple_of3A, %multiple_of3A_55] : memref<1024x100000xf32, #tpu.memory_space<hbm>> -> memref<8x128xf32, #tpu.memory_space<hbm>>
      tpu.enqueue_dma source(%dma_start3A_130 : memref<8x128xf32, #tpu.memory_space<hbm>>) target(%dma_start3A_129 : memref<8x128xf32, #tpu.memory_space<vmem>>) target_semaphore(%arg8 : memref<!tpu.dma_semaphore, #tpu.memory_space<semaphore_mem>>)
      %dma_start3A_131 = arith.constant 6 : i32
      %dma_start3A_132 = arith.constant 0 : i32
      %dma_start3A_133 = arith.constant 0 : i32
      %dma_start3A_134 = tpu.memref_slice %arg6[%dma_start3A_131, %dma_start3A_132, %dma_start3A_133] : memref<8x8x128xf32, #tpu.memory_space<vmem>> -> memref<1x8x128xf32, #tpu.memory_space<vmem>>
      %dma_start3A_135 = tpu.memref_squeeze %dma_start3A_134 : memref<1x8x128xf32, #tpu.memory_space<vmem>> -> memref<8x128xf32, #tpu.memory_space<vmem>>
      %dma_start3A_136 = tpu.memref_slice %arg2[%multiple_of3A, %multiple_of3A_60] : memref<1024x100000xf32, #tpu.memory_space<hbm>> -> memref<8x128xf32, #tpu.memory_space<hbm>>
      %dma_start3A_137 = arith.constant 0 : i32
      %dma_start3A_138 = arith.constant 0 : i32
      %dma_start3A_139 = tpu.memref_slice %arg6[%dma_start3A_131, %dma_start3A_137, %dma_start3A_138] : memref<8x8x128xf32, #tpu.memory_space<vmem>> -> memref<1x8x128xf32, #tpu.memory_space<vmem>>
      %dma_start3A_140 = tpu.memref_squeeze %dma_start3A_139 : memref<1x8x128xf32, #tpu.memory_space<vmem>> -> memref<8x128xf32, #tpu.memory_space<vmem>>
      %dma_start3A_141 = tpu.memref_slice %arg2[%multiple_of3A, %multiple_of3A_60] : memref<1024x100000xf32, #tpu.memory_space<hbm>> -> memref<8x128xf32, #tpu.memory_space<hbm>>
      tpu.enqueue_dma source(%dma_start3A_141 : memref<8x128xf32, #tpu.memory_space<hbm>>) target(%dma_start3A_140 : memref<8x128xf32, #tpu.memory_space<vmem>>) target_semaphore(%arg8 : memref<!tpu.dma_semaphore, #tpu.memory_space<semaphore_mem>>)
      %dma_start3A_142 = arith.constant 7 : i32
      %dma_start3A_143 = arith.constant 0 : i32
      %dma_start3A_144 = arith.constant 0 : i32
      %dma_start3A_145 = tpu.memref_slice %arg6[%dma_start3A_142, %dma_start3A_143, %dma_start3A_144] : memref<8x8x128xf32, #tpu.memory_space<vmem>> -> memref<1x8x128xf32, #tpu.memory_space<vmem>>
      %dma_start3A_146 = tpu.memref_squeeze %dma_start3A_145 : memref<1x8x128xf32, #tpu.memory_space<vmem>> -> memref<8x128xf32, #tpu.memory_space<vmem>>
      %dma_start3A_147 = tpu.memref_slice %arg2[%multiple_of3A, %multiple_of3A_65] : memref<1024x100000xf32, #tpu.memory_space<hbm>> -> memref<8x128xf32, #tpu.memory_space<hbm>>
      %dma_start3A_148 = arith.constant 0 : i32
      %dma_start3A_149 = arith.constant 0 : i32
      %dma_start3A_150 = tpu.memref_slice %arg6[%dma_start3A_142, %dma_start3A_148, %dma_start3A_149] : memref<8x8x128xf32, #tpu.memory_space<vmem>> -> memref<1x8x128xf32, #tpu.memory_space<vmem>>
      %dma_start3A_151 = tpu.memref_squeeze %dma_start3A_150 : memref<1x8x128xf32, #tpu.memory_space<vmem>> -> memref<8x128xf32, #tpu.memory_space<vmem>>
      %dma_start3A_152 = tpu.memref_slice %arg2[%multiple_of3A, %multiple_of3A_65] : memref<1024x100000xf32, #tpu.memory_space<hbm>> -> memref<8x128xf32, #tpu.memory_space<hbm>>
      tpu.enqueue_dma source(%dma_start3A_152 : memref<8x128xf32, #tpu.memory_space<hbm>>) target(%dma_start3A_151 : memref<8x128xf32, #tpu.memory_space<vmem>>) target_semaphore(%arg8 : memref<!tpu.dma_semaphore, #tpu.memory_space<semaphore_mem>>)
      %dma_wait3A = arith.constant 0 : i32
      %dma_wait3A_153 = arith.constant 0 : i32
      %dma_wait3A_154 = arith.constant 0 : i32
      %dma_wait3A_155 = tpu.memref_slice %arg6[%dma_wait3A, %dma_wait3A_153, %dma_wait3A_154] : memref<8x8x128xf32, #tpu.memory_space<vmem>> -> memref<1x8x128xf32, #tpu.memory_space<vmem>>
      %dma_wait3A_156 = tpu.memref_squeeze %dma_wait3A_155 : memref<1x8x128xf32, #tpu.memory_space<vmem>> -> memref<8x128xf32, #tpu.memory_space<vmem>>
      %dma_wait3A_157 = tpu.memref_slice %arg2[%multiple_of3A, %multiple_of3A_30] : memref<1024x100000xf32, #tpu.memory_space<hbm>> -> memref<8x128xf32, #tpu.memory_space<hbm>>
      %dma_wait3A_158 = arith.constant 0 : i32
      %dma_wait3A_159 = arith.constant 0 : i32
      %dma_wait3A_160 = tpu.memref_slice %arg6[%dma_wait3A, %dma_wait3A_158, %dma_wait3A_159] : memref<8x8x128xf32, #tpu.memory_space<vmem>> -> memref<1x8x128xf32, #tpu.memory_space<vmem>>
      %dma_wait3A_161 = tpu.memref_squeeze %dma_wait3A_160 : memref<1x8x128xf32, #tpu.memory_space<vmem>> -> memref<8x128xf32, #tpu.memory_space<vmem>>
      %dma_wait3A_162 = tpu.memref_slice %arg2[%multiple_of3A, %multiple_of3A_30] : memref<1024x100000xf32, #tpu.memory_space<hbm>> -> memref<8x128xf32, #tpu.memory_space<hbm>>
      tpu.wait_dma2 semaphore(%arg8 : memref<!tpu.dma_semaphore, #tpu.memory_space<semaphore_mem>>) src(%dma_wait3A_162 : memref<8x128xf32, #tpu.memory_space<hbm>>) dst(%dma_wait3A_161 : memref<8x128xf32, #tpu.memory_space<vmem>>)
      %dma_wait3A_163 = arith.constant 1 : i32
      %dma_wait3A_164 = arith.constant 0 : i32
      %dma_wait3A_165 = arith.constant 0 : i32
      %dma_wait3A_166 = tpu.memref_slice %arg6[%dma_wait3A_163, %dma_wait3A_164, %dma_wait3A_165] : memref<8x8x128xf32, #tpu.memory_space<vmem>> -> memref<1x8x128xf32, #tpu.memory_space<vmem>>
      %dma_wait3A_167 = tpu.memref_squeeze %dma_wait3A_166 : memref<1x8x128xf32, #tpu.memory_space<vmem>> -> memref<8x128xf32, #tpu.memory_space<vmem>>
      %dma_wait3A_168 = tpu.memref_slice %arg2[%multiple_of3A, %multiple_of3A_35] : memref<1024x100000xf32, #tpu.memory_space<hbm>> -> memref<8x128xf32, #tpu.memory_space<hbm>>
      %dma_wait3A_169 = arith.constant 0 : i32
      %dma_wait3A_170 = arith.constant 0 : i32
      %dma_wait3A_171 = tpu.memref_slice %arg6[%dma_wait3A_163, %dma_wait3A_169, %dma_wait3A_170] : memref<8x8x128xf32, #tpu.memory_space<vmem>> -> memref<1x8x128xf32, #tpu.memory_space<vmem>>
      %dma_wait3A_172 = tpu.memref_squeeze %dma_wait3A_171 : memref<1x8x128xf32, #tpu.memory_space<vmem>> -> memref<8x128xf32, #tpu.memory_space<vmem>>
      %dma_wait3A_173 = tpu.memref_slice %arg2[%multiple_of3A, %multiple_of3A_35] : memref<1024x100000xf32, #tpu.memory_space<hbm>> -> memref<8x128xf32, #tpu.memory_space<hbm>>
      tpu.wait_dma2 semaphore(%arg8 : memref<!tpu.dma_semaphore, #tpu.memory_space<semaphore_mem>>) src(%dma_wait3A_173 : memref<8x128xf32, #tpu.memory_space<hbm>>) dst(%dma_wait3A_172 : memref<8x128xf32, #tpu.memory_space<vmem>>)
      %dma_wait3A_174 = arith.constant 2 : i32
      %dma_wait3A_175 = arith.constant 0 : i32
      %dma_wait3A_176 = arith.constant 0 : i32
      %dma_wait3A_177 = tpu.memref_slice %arg6[%dma_wait3A_174, %dma_wait3A_175, %dma_wait3A_176] : memref<8x8x128xf32, #tpu.memory_space<vmem>> -> memref<1x8x128xf32, #tpu.memory_space<vmem>>
      %dma_wait3A_178 = tpu.memref_squeeze %dma_wait3A_177 : memref<1x8x128xf32, #tpu.memory_space<vmem>> -> memref<8x128xf32, #tpu.memory_space<vmem>>
      %dma_wait3A_179 = tpu.memref_slice %arg2[%multiple_of3A, %multiple_of3A_40] : memref<1024x100000xf32, #tpu.memory_space<hbm>> -> memref<8x128xf32, #tpu.memory_space<hbm>>
      %dma_wait3A_180 = arith.constant 0 : i32
      %dma_wait3A_181 = arith.constant 0 : i32
      %dma_wait3A_182 = tpu.memref_slice %arg6[%dma_wait3A_174, %dma_wait3A_180, %dma_wait3A_181] : memref<8x8x128xf32, #tpu.memory_space<vmem>> -> memref<1x8x128xf32, #tpu.memory_space<vmem>>
      %dma_wait3A_183 = tpu.memref_squeeze %dma_wait3A_182 : memref<1x8x128xf32, #tpu.memory_space<vmem>> -> memref<8x128xf32, #tpu.memory_space<vmem>>
      %dma_wait3A_184 = tpu.memref_slice %arg2[%multiple_of3A, %multiple_of3A_40] : memref<1024x100000xf32, #tpu.memory_space<hbm>> -> memref<8x128xf32, #tpu.memory_space<hbm>>
      tpu.wait_dma2 semaphore(%arg8 : memref<!tpu.dma_semaphore, #tpu.memory_space<semaphore_mem>>) src(%dma_wait3A_184 : memref<8x128xf32, #tpu.memory_space<hbm>>) dst(%dma_wait3A_183 : memref<8x128xf32, #tpu.memory_space<vmem>>)
      %dma_wait3A_185 = arith.constant 3 : i32
      %dma_wait3A_186 = arith.constant 0 : i32
      %dma_wait3A_187 = arith.constant 0 : i32
      %dma_wait3A_188 = tpu.memref_slice %arg6[%dma_wait3A_185, %dma_wait3A_186, %dma_wait3A_187] : memref<8x8x128xf32, #tpu.memory_space<vmem>> -> memref<1x8x128xf32, #tpu.memory_space<vmem>>
      %dma_wait3A_189 = tpu.memref_squeeze %dma_wait3A_188 : memref<1x8x128xf32, #tpu.memory_space<vmem>> -> memref<8x128xf32, #tpu.memory_space<vmem>>
      %dma_wait3A_190 = tpu.memref_slice %arg2[%multiple_of3A, %multiple_of3A_45] : memref<1024x100000xf32, #tpu.memory_space<hbm>> -> memref<8x128xf32, #tpu.memory_space<hbm>>
      %dma_wait3A_191 = arith.constant 0 : i32
      %dma_wait3A_192 = arith.constant 0 : i32
      %dma_wait3A_193 = tpu.memref_slice %arg6[%dma_wait3A_185, %dma_wait3A_191, %dma_wait3A_192] : memref<8x8x128xf32, #tpu.memory_space<vmem>> -> memref<1x8x128xf32, #tpu.memory_space<vmem>>
      %dma_wait3A_194 = tpu.memref_squeeze %dma_wait3A_193 : memref<1x8x128xf32, #tpu.memory_space<vmem>> -> memref<8x128xf32, #tpu.memory_space<vmem>>
      %dma_wait3A_195 = tpu.memref_slice %arg2[%multiple_of3A, %multiple_of3A_45] : memref<1024x100000xf32, #tpu.memory_space<hbm>> -> memref<8x128xf32, #tpu.memory_space<hbm>>
      tpu.wait_dma2 semaphore(%arg8 : memref<!tpu.dma_semaphore, #tpu.memory_space<semaphore_mem>>) src(%dma_wait3A_195 : memref<8x128xf32, #tpu.memory_space<hbm>>) dst(%dma_wait3A_194 : memref<8x128xf32, #tpu.memory_space<vmem>>)
      %dma_wait3A_196 = arith.constant 4 : i32
      %dma_wait3A_197 = arith.constant 0 : i32
      %dma_wait3A_198 = arith.constant 0 : i32
      %dma_wait3A_199 = tpu.memref_slice %arg6[%dma_wait3A_196, %dma_wait3A_197, %dma_wait3A_198] : memref<8x8x128xf32, #tpu.memory_space<vmem>> -> memref<1x8x128xf32, #tpu.memory_space<vmem>>
      %dma_wait3A_200 = tpu.memref_squeeze %dma_wait3A_199 : memref<1x8x128xf32, #tpu.memory_space<vmem>> -> memref<8x128xf32, #tpu.memory_space<vmem>>
      %dma_wait3A_201 = tpu.memref_slice %arg2[%multiple_of3A, %multiple_of3A_50] : memref<1024x100000xf32, #tpu.memory_space<hbm>> -> memref<8x128xf32, #tpu.memory_space<hbm>>
      %dma_wait3A_202 = arith.constant 0 : i32
      %dma_wait3A_203 = arith.constant 0 : i32
      %dma_wait3A_204 = tpu.memref_slice %arg6[%dma_wait3A_196, %dma_wait3A_202, %dma_wait3A_203] : memref<8x8x128xf32, #tpu.memory_space<vmem>> -> memref<1x8x128xf32, #tpu.memory_space<vmem>>
      %dma_wait3A_205 = tpu.memref_squeeze %dma_wait3A_204 : memref<1x8x128xf32, #tpu.memory_space<vmem>> -> memref<8x128xf32, #tpu.memory_space<vmem>>
      %dma_wait3A_206 = tpu.memref_slice %arg2[%multiple_of3A, %multiple_of3A_50] : memref<1024x100000xf32, #tpu.memory_space<hbm>> -> memref<8x128xf32, #tpu.memory_space<hbm>>
      tpu.wait_dma2 semaphore(%arg8 : memref<!tpu.dma_semaphore, #tpu.memory_space<semaphore_mem>>) src(%dma_wait3A_206 : memref<8x128xf32, #tpu.memory_space<hbm>>) dst(%dma_wait3A_205 : memref<8x128xf32, #tpu.memory_space<vmem>>)
      %dma_wait3A_207 = arith.constant 5 : i32
      %dma_wait3A_208 = arith.constant 0 : i32
      %dma_wait3A_209 = arith.constant 0 : i32
      %dma_wait3A_210 = tpu.memref_slice %arg6[%dma_wait3A_207, %dma_wait3A_208, %dma_wait3A_209] : memref<8x8x128xf32, #tpu.memory_space<vmem>> -> memref<1x8x128xf32, #tpu.memory_space<vmem>>
      %dma_wait3A_211 = tpu.memref_squeeze %dma_wait3A_210 : memref<1x8x128xf32, #tpu.memory_space<vmem>> -> memref<8x128xf32, #tpu.memory_space<vmem>>
      %dma_wait3A_212 = tpu.memref_slice %arg2[%multiple_of3A, %multiple_of3A_55] : memref<1024x100000xf32, #tpu.memory_space<hbm>> -> memref<8x128xf32, #tpu.memory_space<hbm>>
      %dma_wait3A_213 = arith.constant 0 : i32
      %dma_wait3A_214 = arith.constant 0 : i32
      %dma_wait3A_215 = tpu.memref_slice %arg6[%dma_wait3A_207, %dma_wait3A_213, %dma_wait3A_214] : memref<8x8x128xf32, #tpu.memory_space<vmem>> -> memref<1x8x128xf32, #tpu.memory_space<vmem>>
      %dma_wait3A_216 = tpu.memref_squeeze %dma_wait3A_215 : memref<1x8x128xf32, #tpu.memory_space<vmem>> -> memref<8x128xf32, #tpu.memory_space<vmem>>
      %dma_wait3A_217 = tpu.memref_slice %arg2[%multiple_of3A, %multiple_of3A_55] : memref<1024x100000xf32, #tpu.memory_space<hbm>> -> memref<8x128xf32, #tpu.memory_space<hbm>>
      tpu.wait_dma2 semaphore(%arg8 : memref<!tpu.dma_semaphore, #tpu.memory_space<semaphore_mem>>) src(%dma_wait3A_217 : memref<8x128xf32, #tpu.memory_space<hbm>>) dst(%dma_wait3A_216 : memref<8x128xf32, #tpu.memory_space<vmem>>)
      %dma_wait3A_218 = arith.constant 6 : i32
      %dma_wait3A_219 = arith.constant 0 : i32
      %dma_wait3A_220 = arith.constant 0 : i32
      %dma_wait3A_221 = tpu.memref_slice %arg6[%dma_wait3A_218, %dma_wait3A_219, %dma_wait3A_220] : memref<8x8x128xf32, #tpu.memory_space<vmem>> -> memref<1x8x128xf32, #tpu.memory_space<vmem>>
      %dma_wait3A_222 = tpu.memref_squeeze %dma_wait3A_221 : memref<1x8x128xf32, #tpu.memory_space<vmem>> -> memref<8x128xf32, #tpu.memory_space<vmem>>
      %dma_wait3A_223 = tpu.memref_slice %arg2[%multiple_of3A, %multiple_of3A_60] : memref<1024x100000xf32, #tpu.memory_space<hbm>> -> memref<8x128xf32, #tpu.memory_space<hbm>>
      %dma_wait3A_224 = arith.constant 0 : i32
      %dma_wait3A_225 = arith.constant 0 : i32
      %dma_wait3A_226 = tpu.memref_slice %arg6[%dma_wait3A_218, %dma_wait3A_224, %dma_wait3A_225] : memref<8x8x128xf32, #tpu.memory_space<vmem>> -> memref<1x8x128xf32, #tpu.memory_space<vmem>>
      %dma_wait3A_227 = tpu.memref_squeeze %dma_wait3A_226 : memref<1x8x128xf32, #tpu.memory_space<vmem>> -> memref<8x128xf32, #tpu.memory_space<vmem>>
      %dma_wait3A_228 = tpu.memref_slice %arg2[%multiple_of3A, %multiple_of3A_60] : memref<1024x100000xf32, #tpu.memory_space<hbm>> -> memref<8x128xf32, #tpu.memory_space<hbm>>
      tpu.wait_dma2 semaphore(%arg8 : memref<!tpu.dma_semaphore, #tpu.memory_space<semaphore_mem>>) src(%dma_wait3A_228 : memref<8x128xf32, #tpu.memory_space<hbm>>) dst(%dma_wait3A_227 : memref<8x128xf32, #tpu.memory_space<vmem>>)
      %dma_wait3A_229 = arith.constant 7 : i32
      %dma_wait3A_230 = arith.constant 0 : i32
      %dma_wait3A_231 = arith.constant 0 : i32
      %dma_wait3A_232 = tpu.memref_slice %arg6[%dma_wait3A_229, %dma_wait3A_230, %dma_wait3A_231] : memref<8x8x128xf32, #tpu.memory_space<vmem>> -> memref<1x8x128xf32, #tpu.memory_space<vmem>>
      %dma_wait3A_233 = tpu.memref_squeeze %dma_wait3A_232 : memref<1x8x128xf32, #tpu.memory_space<vmem>> -> memref<8x128xf32, #tpu.memory_space<vmem>>
      %dma_wait3A_234 = tpu.memref_slice %arg2[%multiple_of3A, %multiple_of3A_65] : memref<1024x100000xf32, #tpu.memory_space<hbm>> -> memref<8x128xf32, #tpu.memory_space<hbm>>
      %dma_wait3A_235 = arith.constant 0 : i32
      %dma_wait3A_236 = arith.constant 0 : i32
      %dma_wait3A_237 = tpu.memref_slice %arg6[%dma_wait3A_229, %dma_wait3A_235, %dma_wait3A_236] : memref<8x8x128xf32, #tpu.memory_space<vmem>> -> memref<1x8x128xf32, #tpu.memory_space<vmem>>
      %dma_wait3A_238 = tpu.memref_squeeze %dma_wait3A_237 : memref<1x8x128xf32, #tpu.memory_space<vmem>> -> memref<8x128xf32, #tpu.memory_space<vmem>>
      %dma_wait3A_239 = tpu.memref_slice %arg2[%multiple_of3A, %multiple_of3A_65] : memref<1024x100000xf32, #tpu.memory_space<hbm>> -> memref<8x128xf32, #tpu.memory_space<hbm>>
      tpu.wait_dma2 semaphore(%arg8 : memref<!tpu.dma_semaphore, #tpu.memory_space<semaphore_mem>>) src(%dma_wait3A_239 : memref<8x128xf32, #tpu.memory_space<hbm>>) dst(%dma_wait3A_238 : memref<8x128xf32, #tpu.memory_space<vmem>>)
      %and3A = arith.constant 127 : i32
      %and3A_240 = arith.andi %squeeze3A, %and3A : i32
      %shift_right_arithmetic3A_241 = arith.constant 4 : i32
      %shift_right_arithmetic3A_242 = arith.shrsi %and3A_240, %shift_right_arithmetic3A_241 : i32
      %shift_left3A_243 = arith.constant 4 : i32
      %shift_left3A_244 = arith.shli %shift_right_arithmetic3A_242, %shift_left3A_243 : i32
      %multiple_of3A_245 = tpu.assume_multiple %shift_left3A_244, 16 : i32
      %get3A_246 = arith.constant 0 : i32
      %get3A_247 = arith.constant 0 : i32
      %get3A_248 = arith.index_cast %get3A_246 : i32 to index
      %get3A_249 = arith.index_cast %get3A_247 : i32 to index
      %get3A_250 = arith.index_cast %multiple_of3A_245 : i32 to index
      %get3A_251 = tpu.vector_load %arg6[%get3A_248, %get3A_249, %get3A_250] {strides = array<i32>} : memref<8x8x128xf32, #tpu.memory_space<vmem>>, vector<1x1x16xf32>,
      %get3A_252 = vector.shape_cast %get3A_251 : vector<1x1x16xf32> to vector<16xf32>
      %jit3A = arith.constant -0.999998986 : f32
      %jit3A_253 = arith.constant 0.999998986 : f32
      %max3A = vector.broadcast %jit3A : f32 to vector<16xf32>
      %max3A_254 = arith.maximumf %max3A, %get3A_252 : vector<16xf32>
      %min3A = vector.broadcast %jit3A_253 : f32 to vector<16xf32>
      %min3A_255 = arith.minimumf %min3A, %max3A_254 : vector<16xf32>
      %mul3A_256 = arith.mulf %min3A_255, %min3A_255 : vector<16xf32>
      %sub3A = arith.constant 1.000000e+00 : f32
      %sub3A_257 = vector.broadcast %sub3A : f32 to vector<16xf32>
      %sub3A_258 = arith.subf %sub3A_257, %mul3A_256 : vector<16xf32>
      %broadcast_in_dim3A = arith.constant 1.41421354 : f32
      %broadcast_in_dim3A_259 = vector.broadcast %broadcast_in_dim3A : f32 to vector<16xf32>
      %lt3A = arith.constant 2.500000e-01 : f32
      %lt3A_260 = vector.broadcast %lt3A : f32 to vector<16xf32>
      %lt3A_261 = arith.cmpf olt, %sub3A_258, %lt3A_260 : vector<16xf32>
      %broadcast_in_dim3A_262 = arith.constant 2.82842708 : f32
      %broadcast_in_dim3A_263 = vector.broadcast %broadcast_in_dim3A_262 : f32 to vector<16xf32>
      %select_n3A = arith.select %lt3A_261, %broadcast_in_dim3A_263, %broadcast_in_dim3A_259 : vector<16xi1>, vector<16xf32>
      %lt3A_264 = arith.constant 6.250000e-02 : f32
      %lt3A_265 = vector.broadcast %lt3A_264 : f32 to vector<16xf32>
      %lt3A_266 = arith.cmpf olt, %sub3A_258, %lt3A_265 : vector<16xf32>
      %broadcast_in_dim3A_267 = arith.constant 5.65685415 : f32
      %broadcast_in_dim3A_268 = vector.broadcast %broadcast_in_dim3A_267 : f32 to vector<16xf32>
      %select_n3A_269 = arith.select %lt3A_266, %broadcast_in_dim3A_268, %select_n3A : vector<16xi1>, vector<16xf32>
      %lt3A_270 = arith.constant 1.562500e-02 : f32
      %lt3A_271 = vector.broadcast %lt3A_270 : f32 to vector<16xf32>
      %lt3A_272 = arith.cmpf olt, %sub3A_258, %lt3A_271 : vector<16xf32>
      %broadcast_in_dim3A_273 = arith.constant 11.3137083 : f32
      %broadcast_in_dim3A_274 = vector.broadcast %broadcast_in_dim3A_273 : f32 to vector<16xf32>
      %select_n3A_275 = arith.select %lt3A_272, %broadcast_in_dim3A_274, %select_n3A_269 : vector<16xi1>, vector<16xf32>
      %lt3A_276 = arith.constant 3.906250e-03 : f32
      %lt3A_277 = vector.broadcast %lt3A_276 : f32 to vector<16xf32>
      %lt3A_278 = arith.cmpf olt, %sub3A_258, %lt3A_277 : vector<16xf32>
      %broadcast_in_dim3A_279 = arith.constant 22.6274166 : f32
      %broadcast_in_dim3A_280 = vector.broadcast %broadcast_in_dim3A_279 : f32 to vector<16xf32>
      %select_n3A_281 = arith.select %lt3A_278, %broadcast_in_dim3A_280, %select_n3A_275 : vector<16xi1>, vector<16xf32>
      %lt3A_282 = arith.constant 9.765625E-4 : f32
      %lt3A_283 = vector.broadcast %lt3A_282 : f32 to vector<16xf32>
      %lt3A_284 = arith.cmpf olt, %sub3A_258, %lt3A_283 : vector<16xf32>
      %broadcast_in_dim3A_285 = arith.constant 45.2548332 : f32
      %broadcast_in_dim3A_286 = vector.broadcast %broadcast_in_dim3A_285 : f32 to vector<16xf32>
      %select_n3A_287 = arith.select %lt3A_284, %broadcast_in_dim3A_286, %select_n3A_281 : vector<16xi1>, vector<16xf32>
      %lt3A_288 = arith.constant 2.44140625E-4 : f32
      %lt3A_289 = vector.broadcast %lt3A_288 : f32 to vector<16xf32>
      %lt3A_290 = arith.cmpf olt, %sub3A_258, %lt3A_289 : vector<16xf32>
      %broadcast_in_dim3A_291 = arith.constant 90.5096664 : f32
      %broadcast_in_dim3A_292 = vector.broadcast %broadcast_in_dim3A_291 : f32 to vector<16xf32>
      %select_n3A_293 = arith.select %lt3A_290, %broadcast_in_dim3A_292, %select_n3A_287 : vector<16xi1>, vector<16xf32>
      %lt3A_294 = arith.constant 6.10351563E-5 : f32
      %lt3A_295 = vector.broadcast %lt3A_294 : f32 to vector<16xf32>
      %lt3A_296 = arith.cmpf olt, %sub3A_258, %lt3A_295 : vector<16xf32>
      %broadcast_in_dim3A_297 = arith.constant 181.019333 : f32
      %broadcast_in_dim3A_298 = vector.broadcast %broadcast_in_dim3A_297 : f32 to vector<16xf32>
      %select_n3A_299 = arith.select %lt3A_296, %broadcast_in_dim3A_298, %select_n3A_293 : vector<16xi1>, vector<16xf32>
      %lt3A_300 = arith.constant 1.52587891E-5 : f32
      %lt3A_301 = vector.broadcast %lt3A_300 : f32 to vector<16xf32>
      %lt3A_302 = arith.cmpf olt, %sub3A_258, %lt3A_301 : vector<16xf32>
      %broadcast_in_dim3A_303 = arith.constant 362.038666 : f32
      %broadcast_in_dim3A_304 = vector.broadcast %broadcast_in_dim3A_303 : f32 to vector<16xf32>
      %select_n3A_305 = arith.select %lt3A_302, %broadcast_in_dim3A_304, %select_n3A_299 : vector<16xi1>, vector<16xf32>
      %lt3A_306 = arith.constant 3.81469727E-6 : f32
      %lt3A_307 = vector.broadcast %lt3A_306 : f32 to vector<16xf32>
      %lt3A_308 = arith.cmpf olt, %sub3A_258, %lt3A_307 : vector<16xf32>
      %broadcast_in_dim3A_309 = arith.constant 724.077331 : f32
      %broadcast_in_dim3A_310 = vector.broadcast %broadcast_in_dim3A_309 : f32 to vector<16xf32>
      %select_n3A_311 = arith.select %lt3A_308, %broadcast_in_dim3A_310, %select_n3A_305 : vector<16xi1>, vector<16xf32>
      %lt3A_312 = arith.constant 9.53674316E-7 : f32
      %lt3A_313 = vector.broadcast %lt3A_312 : f32 to vector<16xf32>
      %lt3A_314 = arith.cmpf olt, %sub3A_258, %lt3A_313 : vector<16xf32>
      %broadcast_in_dim3A_315 = arith.constant 1448.15466 : f32
      %broadcast_in_dim3A_316 = vector.broadcast %broadcast_in_dim3A_315 : f32 to vector<16xf32>
      %select_n3A_317 = arith.select %lt3A_314, %broadcast_in_dim3A_316, %select_n3A_311 : vector<16xi1>, vector<16xf32>
      %mul3A_318 = arith.constant 5.000000e-01 : f32
      %mul3A_319 = vector.broadcast %mul3A_318 : f32 to vector<16xf32>
      %mul3A_320 = arith.mulf %mul3A_319, %sub3A_258 : vector<16xf32>
      %mul3A_321 = arith.mulf %mul3A_320, %select_n3A_317 : vector<16xf32>
      %mul3A_322 = arith.mulf %mul3A_321, %select_n3A_317 : vector<16xf32>
      %sub3A_323 = arith.constant 1.500000e+00 : f32
      %sub3A_324 = vector.broadcast %sub3A_323 : f32 to vector<16xf32>
      %sub3A_325 = arith.subf %sub3A_324, %mul3A_322 : vector<16xf32>
      %mul3A_326 = arith.mulf %select_n3A_317, %sub3A_325 : vector<16xf32>
      %mul3A_327 = arith.constant 5.000000e-01 : f32
      %mul3A_328 = vector.broadcast %mul3A_327 : f32 to vector<16xf32>
      %mul3A_329 = arith.mulf %mul3A_328, %sub3A_258 : vector<16xf32>
      %mul3A_330 = arith.mulf %mul3A_329, %mul3A_326 : vector<16xf32>
      %mul3A_331 = arith.mulf %mul3A_330, %mul3A_326 : vector<16xf32>
      %sub3A_332 = arith.constant 1.500000e+00 : f32
      %sub3A_333 = vector.broadcast %sub3A_332 : f32 to vector<16xf32>
      %sub3A_334 = arith.subf %sub3A_333, %mul3A_331 : vector<16xf32>
      %mul3A_335 = arith.mulf %mul3A_326, %sub3A_334 : vector<16xf32>
      %mul3A_336 = arith.constant 5.000000e-01 : f32
      %mul3A_337 = vector.broadcast %mul3A_336 : f32 to vector<16xf32>
      %mul3A_338 = arith.mulf %mul3A_337, %sub3A_258 : vector<16xf32>
      %mul3A_339 = arith.mulf %mul3A_338, %mul3A_335 : vector<16xf32>
      %mul3A_340 = arith.mulf %mul3A_339, %mul3A_335 : vector<16xf32>
      %sub3A_341 = arith.constant 1.500000e+00 : f32
      %sub3A_342 = vector.broadcast %sub3A_341 : f32 to vector<16xf32>
      %sub3A_343 = arith.subf %sub3A_342, %mul3A_340 : vector<16xf32>
      %mul3A_344 = arith.mulf %mul3A_335, %sub3A_343 : vector<16xf32>
      %mul3A_345 = arith.constant 5.000000e-01 : f32
      %mul3A_346 = vector.broadcast %mul3A_345 : f32 to vector<16xf32>
      %mul3A_347 = arith.mulf %mul3A_346, %sub3A_258 : vector<16xf32>
      %mul3A_348 = arith.mulf %mul3A_347, %mul3A_344 : vector<16xf32>
      %mul3A_349 = arith.mulf %mul3A_348, %mul3A_344 : vector<16xf32>
      %sub3A_350 = arith.constant 1.500000e+00 : f32
      %sub3A_351 = vector.broadcast %sub3A_350 : f32 to vector<16xf32>
      %sub3A_352 = arith.subf %sub3A_351, %mul3A_349 : vector<16xf32>
      %mul3A_353 = arith.mulf %mul3A_344, %sub3A_352 : vector<16xf32>
      %mul3A_354 = arith.constant 5.000000e-01 : f32
      %mul3A_355 = vector.broadcast %mul3A_354 : f32 to vector<16xf32>
      %mul3A_356 = arith.mulf %mul3A_355, %sub3A_258 : vector<16xf32>
      %mul3A_357 = arith.mulf %mul3A_356, %mul3A_353 : vector<16xf32>
      %mul3A_358 = arith.mulf %mul3A_357, %mul3A_353 : vector<16xf32>
      %sub3A_359 = arith.constant 1.500000e+00 : f32
      %sub3A_360 = vector.broadcast %sub3A_359 : f32 to vector<16xf32>
      %sub3A_361 = arith.subf %sub3A_360, %mul3A_358 : vector<16xf32>
      %mul3A_362 = arith.mulf %mul3A_353, %sub3A_361 : vector<16xf32>
      %mul3A_363 = arith.constant 56.1652832 : f32
      %mul3A_364 = vector.broadcast %mul3A_363 : f32 to vector<16xf32>
      %mul3A_365 = arith.mulf %mul3A_364, %min3A_255 : vector<16xf32>
      %mul3A_366 = arith.mulf %sub3A_258, %mul3A_362 : vector<16xf32>
      %mul3A_367 = arith.constant 30.6832352 : f32
      %mul3A_368 = vector.broadcast %mul3A_367 : f32 to vector<16xf32>
      %mul3A_369 = arith.mulf %mul3A_368, %mul3A_366 : vector<16xf32>
      %sub3A_370 = arith.subf %mul3A_365, %mul3A_369 : vector<16xf32>
      %swap3A = arith.constant 0 : index
      %swap3A_371 = tpu.vector_load %arg7[%swap3A] {strides = array<i32>} : memref<128xf32, #tpu.memory_space<vmem>>, vector<16xf32>,
      %swap3A_372 = vector.shape_cast %swap3A_371 : vector<16xf32> to vector<16xf32>
      %swap3A_373 = vector.shape_cast %sub3A_370 : vector<16xf32> to vector<16xf32>
      tpu.vector_store %arg7[%swap3A], %swap3A_373 {strides = array<i32>} : memref<128xf32, #tpu.memory_space<vmem>>, vector<16xf32>,
      %and3A_374 = arith.constant 127 : i32
      %and3A_375 = arith.andi %squeeze3A_15, %and3A_374 : i32
      %shift_right_arithmetic3A_376 = arith.constant 4 : i32
      %shift_right_arithmetic3A_377 = arith.shrsi %and3A_375, %shift_right_arithmetic3A_376 : i32
      %shift_left3A_378 = arith.constant 4 : i32
      %shift_left3A_379 = arith.shli %shift_right_arithmetic3A_377, %shift_left3A_378 : i32
      %multiple_of3A_380 = tpu.assume_multiple %shift_left3A_379, 16 : i32
      %get3A_381 = arith.constant 1 : i32
      %get3A_382 = arith.constant 1 : i32
      %get3A_383 = arith.index_cast %get3A_381 : i32 to index
      %get3A_384 = arith.index_cast %get3A_382 : i32 to index
      %get3A_385 = arith.index_cast %multiple_of3A_380 : i32 to index
      %get3A_386 = tpu.vector_load %arg6[%get3A_383, %get3A_384, %get3A_385] {strides = array<i32>} : memref<8x8x128xf32, #tpu.memory_space<vmem>>, vector<1x1x16xf32>,
      %get3A_387 = vector.shape_cast %get3A_386 : vector<1x1x16xf32> to vector<16xf32>
      %jit3A_388 = arith.constant -0.999998986 : f32
      %jit3A_389 = arith.constant 0.999998986 : f32
      %max3A_390 = vector.broadcast %jit3A_388 : f32 to vector<16xf32>
      %max3A_391 = arith.maximumf %max3A_390, %get3A_387 : vector<16xf32>
      %min3A_392 = vector.broadcast %jit3A_389 : f32 to vector<16xf32>
      %min3A_393 = arith.minimumf %min3A_392, %max3A_391 : vector<16xf32>
      %mul3A_394 = arith.mulf %min3A_393, %min3A_393 : vector<16xf32>
      %sub3A_395 = arith.constant 1.000000e+00 : f32
      %sub3A_396 = vector.broadcast %sub3A_395 : f32 to vector<16xf32>
      %sub3A_397 = arith.subf %sub3A_396, %mul3A_394 : vector<16xf32>
      %broadcast_in_dim3A_398 = arith.constant 1.41421354 : f32
      %broadcast_in_dim3A_399 = vector.broadcast %broadcast_in_dim3A_398 : f32 to vector<16xf32>
      %lt3A_400 = arith.constant 2.500000e-01 : f32
      %lt3A_401 = vector.broadcast %lt3A_400 : f32 to vector<16xf32>
      %lt3A_402 = arith.cmpf olt, %sub3A_397, %lt3A_401 : vector<16xf32>
      %broadcast_in_dim3A_403 = arith.constant 2.82842708 : f32
      %broadcast_in_dim3A_404 = vector.broadcast %broadcast_in_dim3A_403 : f32 to vector<16xf32>
      %select_n3A_405 = arith.select %lt3A_402, %broadcast_in_dim3A_404, %broadcast_in_dim3A_399 : vector<16xi1>, vector<16xf32>
      %lt3A_406 = arith.constant 6.250000e-02 : f32
      %lt3A_407 = vector.broadcast %lt3A_406 : f32 to vector<16xf32>
      %lt3A_408 = arith.cmpf olt, %sub3A_397, %lt3A_407 : vector<16xf32>
      %broadcast_in_dim3A_409 = arith.constant 5.65685415 : f32
      %broadcast_in_dim3A_410 = vector.broadcast %broadcast_in_dim3A_409 : f32 to vector<16xf32>
      %select_n3A_411 = arith.select %lt3A_408, %broadcast_in_dim3A_410, %select_n3A_405 : vector<16xi1>, vector<16xf32>
      %lt3A_412 = arith.constant 1.562500e-02 : f32
      %lt3A_413 = vector.broadcast %lt3A_412 : f32 to vector<16xf32>
      %lt3A_414 = arith.cmpf olt, %sub3A_397, %lt3A_413 : vector<16xf32>
      %broadcast_in_dim3A_415 = arith.constant 11.3137083 : f32
      %broadcast_in_dim3A_416 = vector.broadcast %broadcast_in_dim3A_415 : f32 to vector<16xf32>
      %select_n3A_417 = arith.select %lt3A_414, %broadcast_in_dim3A_416, %select_n3A_411 : vector<16xi1>, vector<16xf32>
      %lt3A_418 = arith.constant 3.906250e-03 : f32
      %lt3A_419 = vector.broadcast %lt3A_418 : f32 to vector<16xf32>
      %lt3A_420 = arith.cmpf olt, %sub3A_397, %lt3A_419 : vector<16xf32>
      %broadcast_in_dim3A_421 = arith.constant 22.6274166 : f32
      %broadcast_in_dim3A_422 = vector.broadcast %broadcast_in_dim3A_421 : f32 to vector<16xf32>
      %select_n3A_423 = arith.select %lt3A_420, %broadcast_in_dim3A_422, %select_n3A_417 : vector<16xi1>, vector<16xf32>
      %lt3A_424 = arith.constant 9.765625E-4 : f32
      %lt3A_425 = vector.broadcast %lt3A_424 : f32 to vector<16xf32>
      %lt3A_426 = arith.cmpf olt, %sub3A_397, %lt3A_425 : vector<16xf32>
      %broadcast_in_dim3A_427 = arith.constant 45.2548332 : f32
      %broadcast_in_dim3A_428 = vector.broadcast %broadcast_in_dim3A_427 : f32 to vector<16xf32>
      %select_n3A_429 = arith.select %lt3A_426, %broadcast_in_dim3A_428, %select_n3A_423 : vector<16xi1>, vector<16xf32>
      %lt3A_430 = arith.constant 2.44140625E-4 : f32
      %lt3A_431 = vector.broadcast %lt3A_430 : f32 to vector<16xf32>
      %lt3A_432 = arith.cmpf olt, %sub3A_397, %lt3A_431 : vector<16xf32>
      %broadcast_in_dim3A_433 = arith.constant 90.5096664 : f32
      %broadcast_in_dim3A_434 = vector.broadcast %broadcast_in_dim3A_433 : f32 to vector<16xf32>
      %select_n3A_435 = arith.select %lt3A_432, %broadcast_in_dim3A_434, %select_n3A_429 : vector<16xi1>, vector<16xf32>
      %lt3A_436 = arith.constant 6.10351563E-5 : f32
      %lt3A_437 = vector.broadcast %lt3A_436 : f32 to vector<16xf32>
      %lt3A_438 = arith.cmpf olt, %sub3A_397, %lt3A_437 : vector<16xf32>
      %broadcast_in_dim3A_439 = arith.constant 181.019333 : f32
      %broadcast_in_dim3A_440 = vector.broadcast %broadcast_in_dim3A_439 : f32 to vector<16xf32>
      %select_n3A_441 = arith.select %lt3A_438, %broadcast_in_dim3A_440, %select_n3A_435 : vector<16xi1>, vector<16xf32>
      %lt3A_442 = arith.constant 1.52587891E-5 : f32
      %lt3A_443 = vector.broadcast %lt3A_442 : f32 to vector<16xf32>
      %lt3A_444 = arith.cmpf olt, %sub3A_397, %lt3A_443 : vector<16xf32>
      %broadcast_in_dim3A_445 = arith.constant 362.038666 : f32
      %broadcast_in_dim3A_446 = vector.broadcast %broadcast_in_dim3A_445 : f32 to vector<16xf32>
      %select_n3A_447 = arith.select %lt3A_444, %broadcast_in_dim3A_446, %select_n3A_441 : vector<16xi1>, vector<16xf32>
      %lt3A_448 = arith.constant 3.81469727E-6 : f32
      %lt3A_449 = vector.broadcast %lt3A_448 : f32 to vector<16xf32>
      %lt3A_450 = arith.cmpf olt, %sub3A_397, %lt3A_449 : vector<16xf32>
      %broadcast_in_dim3A_451 = arith.constant 724.077331 : f32
      %broadcast_in_dim3A_452 = vector.broadcast %broadcast_in_dim3A_451 : f32 to vector<16xf32>
      %select_n3A_453 = arith.select %lt3A_450, %broadcast_in_dim3A_452, %select_n3A_447 : vector<16xi1>, vector<16xf32>
      %lt3A_454 = arith.constant 9.53674316E-7 : f32
      %lt3A_455 = vector.broadcast %lt3A_454 : f32 to vector<16xf32>
      %lt3A_456 = arith.cmpf olt, %sub3A_397, %lt3A_455 : vector<16xf32>
      %broadcast_in_dim3A_457 = arith.constant 1448.15466 : f32
      %broadcast_in_dim3A_458 = vector.broadcast %broadcast_in_dim3A_457 : f32 to vector<16xf32>
      %select_n3A_459 = arith.select %lt3A_456, %broadcast_in_dim3A_458, %select_n3A_453 : vector<16xi1>, vector<16xf32>
      %mul3A_460 = arith.constant 5.000000e-01 : f32
      %mul3A_461 = vector.broadcast %mul3A_460 : f32 to vector<16xf32>
      %mul3A_462 = arith.mulf %mul3A_461, %sub3A_397 : vector<16xf32>
      %mul3A_463 = arith.mulf %mul3A_462, %select_n3A_459 : vector<16xf32>
      %mul3A_464 = arith.mulf %mul3A_463, %select_n3A_459 : vector<16xf32>
      %sub3A_465 = arith.constant 1.500000e+00 : f32
      %sub3A_466 = vector.broadcast %sub3A_465 : f32 to vector<16xf32>
      %sub3A_467 = arith.subf %sub3A_466, %mul3A_464 : vector<16xf32>
      %mul3A_468 = arith.mulf %select_n3A_459, %sub3A_467 : vector<16xf32>
      %mul3A_469 = arith.constant 5.000000e-01 : f32
      %mul3A_470 = vector.broadcast %mul3A_469 : f32 to vector<16xf32>
      %mul3A_471 = arith.mulf %mul3A_470, %sub3A_397 : vector<16xf32>
      %mul3A_472 = arith.mulf %mul3A_471, %mul3A_468 : vector<16xf32>
      %mul3A_473 = arith.mulf %mul3A_472, %mul3A_468 : vector<16xf32>
      %sub3A_474 = arith.constant 1.500000e+00 : f32
      %sub3A_475 = vector.broadcast %sub3A_474 : f32 to vector<16xf32>
      %sub3A_476 = arith.subf %sub3A_475, %mul3A_473 : vector<16xf32>
      %mul3A_477 = arith.mulf %mul3A_468, %sub3A_476 : vector<16xf32>
      %mul3A_478 = arith.constant 5.000000e-01 : f32
      %mul3A_479 = vector.broadcast %mul3A_478 : f32 to vector<16xf32>
      %mul3A_480 = arith.mulf %mul3A_479, %sub3A_397 : vector<16xf32>
      %mul3A_481 = arith.mulf %mul3A_480, %mul3A_477 : vector<16xf32>
      %mul3A_482 = arith.mulf %mul3A_481, %mul3A_477 : vector<16xf32>
      %sub3A_483 = arith.constant 1.500000e+00 : f32
      %sub3A_484 = vector.broadcast %sub3A_483 : f32 to vector<16xf32>
      %sub3A_485 = arith.subf %sub3A_484, %mul3A_482 : vector<16xf32>
      %mul3A_486 = arith.mulf %mul3A_477, %sub3A_485 : vector<16xf32>
      %mul3A_487 = arith.constant 5.000000e-01 : f32
      %mul3A_488 = vector.broadcast %mul3A_487 : f32 to vector<16xf32>
      %mul3A_489 = arith.mulf %mul3A_488, %sub3A_397 : vector<16xf32>
      %mul3A_490 = arith.mulf %mul3A_489, %mul3A_486 : vector<16xf32>
      %mul3A_491 = arith.mulf %mul3A_490, %mul3A_486 : vector<16xf32>
      %sub3A_492 = arith.constant 1.500000e+00 : f32
      %sub3A_493 = vector.broadcast %sub3A_492 : f32 to vector<16xf32>
      %sub3A_494 = arith.subf %sub3A_493, %mul3A_491 : vector<16xf32>
      %mul3A_495 = arith.mulf %mul3A_486, %sub3A_494 : vector<16xf32>
      %mul3A_496 = arith.constant 5.000000e-01 : f32
      %mul3A_497 = vector.broadcast %mul3A_496 : f32 to vector<16xf32>
      %mul3A_498 = arith.mulf %mul3A_497, %sub3A_397 : vector<16xf32>
      %mul3A_499 = arith.mulf %mul3A_498, %mul3A_495 : vector<16xf32>
      %mul3A_500 = arith.mulf %mul3A_499, %mul3A_495 : vector<16xf32>
      %sub3A_501 = arith.constant 1.500000e+00 : f32
      %sub3A_502 = vector.broadcast %sub3A_501 : f32 to vector<16xf32>
      %sub3A_503 = arith.subf %sub3A_502, %mul3A_500 : vector<16xf32>
      %mul3A_504 = arith.mulf %mul3A_495, %sub3A_503 : vector<16xf32>
      %mul3A_505 = arith.constant 56.1652832 : f32
      %mul3A_506 = vector.broadcast %mul3A_505 : f32 to vector<16xf32>
      %mul3A_507 = arith.mulf %mul3A_506, %min3A_393 : vector<16xf32>
      %mul3A_508 = arith.mulf %sub3A_397, %mul3A_504 : vector<16xf32>
      %mul3A_509 = arith.constant 30.6832352 : f32
      %mul3A_510 = vector.broadcast %mul3A_509 : f32 to vector<16xf32>
      %mul3A_511 = arith.mulf %mul3A_510, %mul3A_508 : vector<16xf32>
      %sub3A_512 = arith.subf %mul3A_507, %mul3A_511 : vector<16xf32>
      %swap3A_513 = arith.constant 16 : index
      %swap3A_514 = tpu.vector_load %arg7[%swap3A_513] {strides = array<i32>} : memref<128xf32, #tpu.memory_space<vmem>>, vector<16xf32>,
      %swap3A_515 = vector.shape_cast %swap3A_514 : vector<16xf32> to vector<16xf32>
      %swap3A_516 = vector.shape_cast %sub3A_512 : vector<16xf32> to vector<16xf32>
      tpu.vector_store %arg7[%swap3A_513], %swap3A_516 {strides = array<i32>} : memref<128xf32, #tpu.memory_space<vmem>>, vector<16xf32>,
      %and3A_517 = arith.constant 127 : i32
      %and3A_518 = arith.andi %squeeze3A_17, %and3A_517 : i32
      %shift_right_arithmetic3A_519 = arith.constant 4 : i32
      %shift_right_arithmetic3A_520 = arith.shrsi %and3A_518, %shift_right_arithmetic3A_519 : i32
      %shift_left3A_521 = arith.constant 4 : i32
      %shift_left3A_522 = arith.shli %shift_right_arithmetic3A_520, %shift_left3A_521 : i32
      %multiple_of3A_523 = tpu.assume_multiple %shift_left3A_522, 16 : i32
      %get3A_524 = arith.constant 2 : i32
      %get3A_525 = arith.constant 2 : i32
      %get3A_526 = arith.index_cast %get3A_524 : i32 to index
      %get3A_527 = arith.index_cast %get3A_525 : i32 to index
      %get3A_528 = arith.index_cast %multiple_of3A_523 : i32 to index
      %get3A_529 = tpu.vector_load %arg6[%get3A_526, %get3A_527, %get3A_528] {strides = array<i32>} : memref<8x8x128xf32, #tpu.memory_space<vmem>>, vector<1x1x16xf32>,
      %get3A_530 = vector.shape_cast %get3A_529 : vector<1x1x16xf32> to vector<16xf32>
      %jit3A_531 = arith.constant -0.999998986 : f32
      %jit3A_532 = arith.constant 0.999998986 : f32
      %max3A_533 = vector.broadcast %jit3A_531 : f32 to vector<16xf32>
      %max3A_534 = arith.maximumf %max3A_533, %get3A_530 : vector<16xf32>
      %min3A_535 = vector.broadcast %jit3A_532 : f32 to vector<16xf32>
      %min3A_536 = arith.minimumf %min3A_535, %max3A_534 : vector<16xf32>
      %mul3A_537 = arith.mulf %min3A_536, %min3A_536 : vector<16xf32>
      %sub3A_538 = arith.constant 1.000000e+00 : f32
      %sub3A_539 = vector.broadcast %sub3A_538 : f32 to vector<16xf32>
      %sub3A_540 = arith.subf %sub3A_539, %mul3A_537 : vector<16xf32>
      %broadcast_in_dim3A_541 = arith.constant 1.41421354 : f32
      %broadcast_in_dim3A_542 = vector.broadcast %broadcast_in_dim3A_541 : f32 to vector<16xf32>
      %lt3A_543 = arith.constant 2.500000e-01 : f32
      %lt3A_544 = vector.broadcast %lt3A_543 : f32 to vector<16xf32>
      %lt3A_545 = arith.cmpf olt, %sub3A_540, %lt3A_544 : vector<16xf32>
      %broadcast_in_dim3A_546 = arith.constant 2.82842708 : f32
      %broadcast_in_dim3A_547 = vector.broadcast %broadcast_in_dim3A_546 : f32 to vector<16xf32>
      %select_n3A_548 = arith.select %lt3A_545, %broadcast_in_dim3A_547, %broadcast_in_dim3A_542 : vector<16xi1>, vector<16xf32>
      %lt3A_549 = arith.constant 6.250000e-02 : f32
      %lt3A_550 = vector.broadcast %lt3A_549 : f32 to vector<16xf32>
      %lt3A_551 = arith.cmpf olt, %sub3A_540, %lt3A_550 : vector<16xf32>
      %broadcast_in_dim3A_552 = arith.constant 5.65685415 : f32
      %broadcast_in_dim3A_553 = vector.broadcast %broadcast_in_dim3A_552 : f32 to vector<16xf32>
      %select_n3A_554 = arith.select %lt3A_551, %broadcast_in_dim3A_553, %select_n3A_548 : vector<16xi1>, vector<16xf32>
      %lt3A_555 = arith.constant 1.562500e-02 : f32
      %lt3A_556 = vector.broadcast %lt3A_555 : f32 to vector<16xf32>
      %lt3A_557 = arith.cmpf olt, %sub3A_540, %lt3A_556 : vector<16xf32>
      %broadcast_in_dim3A_558 = arith.constant 11.3137083 : f32
      %broadcast_in_dim3A_559 = vector.broadcast %broadcast_in_dim3A_558 : f32 to vector<16xf32>
      %select_n3A_560 = arith.select %lt3A_557, %broadcast_in_dim3A_559, %select_n3A_554 : vector<16xi1>, vector<16xf32>
      %lt3A_561 = arith.constant 3.906250e-03 : f32
      %lt3A_562 = vector.broadcast %lt3A_561 : f32 to vector<16xf32>
      %lt3A_563 = arith.cmpf olt, %sub3A_540, %lt3A_562 : vector<16xf32>
      %broadcast_in_dim3A_564 = arith.constant 22.6274166 : f32
      %broadcast_in_dim3A_565 = vector.broadcast %broadcast_in_dim3A_564 : f32 to vector<16xf32>
      %select_n3A_566 = arith.select %lt3A_563, %broadcast_in_dim3A_565, %select_n3A_560 : vector<16xi1>, vector<16xf32>
      %lt3A_567 = arith.constant 9.765625E-4 : f32
      %lt3A_568 = vector.broadcast %lt3A_567 : f32 to vector<16xf32>
      %lt3A_569 = arith.cmpf olt, %sub3A_540, %lt3A_568 : vector<16xf32>
      %broadcast_in_dim3A_570 = arith.constant 45.2548332 : f32
      %broadcast_in_dim3A_571 = vector.broadcast %broadcast_in_dim3A_570 : f32 to vector<16xf32>
      %select_n3A_572 = arith.select %lt3A_569, %broadcast_in_dim3A_571, %select_n3A_566 : vector<16xi1>, vector<16xf32>
      %lt3A_573 = arith.constant 2.44140625E-4 : f32
      %lt3A_574 = vector.broadcast %lt3A_573 : f32 to vector<16xf32>
      %lt3A_575 = arith.cmpf olt, %sub3A_540, %lt3A_574 : vector<16xf32>
      %broadcast_in_dim3A_576 = arith.constant 90.5096664 : f32
      %broadcast_in_dim3A_577 = vector.broadcast %broadcast_in_dim3A_576 : f32 to vector<16xf32>
      %select_n3A_578 = arith.select %lt3A_575, %broadcast_in_dim3A_577, %select_n3A_572 : vector<16xi1>, vector<16xf32>
      %lt3A_579 = arith.constant 6.10351563E-5 : f32
      %lt3A_580 = vector.broadcast %lt3A_579 : f32 to vector<16xf32>
      %lt3A_581 = arith.cmpf olt, %sub3A_540, %lt3A_580 : vector<16xf32>
      %broadcast_in_dim3A_582 = arith.constant 181.019333 : f32
      %broadcast_in_dim3A_583 = vector.broadcast %broadcast_in_dim3A_582 : f32 to vector<16xf32>
      %select_n3A_584 = arith.select %lt3A_581, %broadcast_in_dim3A_583, %select_n3A_578 : vector<16xi1>, vector<16xf32>
      %lt3A_585 = arith.constant 1.52587891E-5 : f32
      %lt3A_586 = vector.broadcast %lt3A_585 : f32 to vector<16xf32>
      %lt3A_587 = arith.cmpf olt, %sub3A_540, %lt3A_586 : vector<16xf32>
      %broadcast_in_dim3A_588 = arith.constant 362.038666 : f32
      %broadcast_in_dim3A_589 = vector.broadcast %broadcast_in_dim3A_588 : f32 to vector<16xf32>
      %select_n3A_590 = arith.select %lt3A_587, %broadcast_in_dim3A_589, %select_n3A_584 : vector<16xi1>, vector<16xf32>
      %lt3A_591 = arith.constant 3.81469727E-6 : f32
      %lt3A_592 = vector.broadcast %lt3A_591 : f32 to vector<16xf32>
      %lt3A_593 = arith.cmpf olt, %sub3A_540, %lt3A_592 : vector<16xf32>
      %broadcast_in_dim3A_594 = arith.constant 724.077331 : f32
      %broadcast_in_dim3A_595 = vector.broadcast %broadcast_in_dim3A_594 : f32 to vector<16xf32>
      %select_n3A_596 = arith.select %lt3A_593, %broadcast_in_dim3A_595, %select_n3A_590 : vector<16xi1>, vector<16xf32>
      %lt3A_597 = arith.constant 9.53674316E-7 : f32
      %lt3A_598 = vector.broadcast %lt3A_597 : f32 to vector<16xf32>
      %lt3A_599 = arith.cmpf olt, %sub3A_540, %lt3A_598 : vector<16xf32>
      %broadcast_in_dim3A_600 = arith.constant 1448.15466 : f32
      %broadcast_in_dim3A_601 = vector.broadcast %broadcast_in_dim3A_600 : f32 to vector<16xf32>
      %select_n3A_602 = arith.select %lt3A_599, %broadcast_in_dim3A_601, %select_n3A_596 : vector<16xi1>, vector<16xf32>
      %mul3A_603 = arith.constant 5.000000e-01 : f32
      %mul3A_604 = vector.broadcast %mul3A_603 : f32 to vector<16xf32>
      %mul3A_605 = arith.mulf %mul3A_604, %sub3A_540 : vector<16xf32>
      %mul3A_606 = arith.mulf %mul3A_605, %select_n3A_602 : vector<16xf32>
      %mul3A_607 = arith.mulf %mul3A_606, %select_n3A_602 : vector<16xf32>
      %sub3A_608 = arith.constant 1.500000e+00 : f32
      %sub3A_609 = vector.broadcast %sub3A_608 : f32 to vector<16xf32>
      %sub3A_610 = arith.subf %sub3A_609, %mul3A_607 : vector<16xf32>
      %mul3A_611 = arith.mulf %select_n3A_602, %sub3A_610 : vector<16xf32>
      %mul3A_612 = arith.constant 5.000000e-01 : f32
      %mul3A_613 = vector.broadcast %mul3A_612 : f32 to vector<16xf32>
      %mul3A_614 = arith.mulf %mul3A_613, %sub3A_540 : vector<16xf32>
      %mul3A_615 = arith.mulf %mul3A_614, %mul3A_611 : vector<16xf32>
      %mul3A_616 = arith.mulf %mul3A_615, %mul3A_611 : vector<16xf32>
      %sub3A_617 = arith.constant 1.500000e+00 : f32
      %sub3A_618 = vector.broadcast %sub3A_617 : f32 to vector<16xf32>
      %sub3A_619 = arith.subf %sub3A_618, %mul3A_616 : vector<16xf32>
      %mul3A_620 = arith.mulf %mul3A_611, %sub3A_619 : vector<16xf32>
      %mul3A_621 = arith.constant 5.000000e-01 : f32
      %mul3A_622 = vector.broadcast %mul3A_621 : f32 to vector<16xf32>
      %mul3A_623 = arith.mulf %mul3A_622, %sub3A_540 : vector<16xf32>
      %mul3A_624 = arith.mulf %mul3A_623, %mul3A_620 : vector<16xf32>
      %mul3A_625 = arith.mulf %mul3A_624, %mul3A_620 : vector<16xf32>
      %sub3A_626 = arith.constant 1.500000e+00 : f32
      %sub3A_627 = vector.broadcast %sub3A_626 : f32 to vector<16xf32>
      %sub3A_628 = arith.subf %sub3A_627, %mul3A_625 : vector<16xf32>
      %mul3A_629 = arith.mulf %mul3A_620, %sub3A_628 : vector<16xf32>
      %mul3A_630 = arith.constant 5.000000e-01 : f32
      %mul3A_631 = vector.broadcast %mul3A_630 : f32 to vector<16xf32>
      %mul3A_632 = arith.mulf %mul3A_631, %sub3A_540 : vector<16xf32>
      %mul3A_633 = arith.mulf %mul3A_632, %mul3A_629 : vector<16xf32>
      %mul3A_634 = arith.mulf %mul3A_633, %mul3A_629 : vector<16xf32>
      %sub3A_635 = arith.constant 1.500000e+00 : f32
      %sub3A_636 = vector.broadcast %sub3A_635 : f32 to vector<16xf32>
      %sub3A_637 = arith.subf %sub3A_636, %mul3A_634 : vector<16xf32>
      %mul3A_638 = arith.mulf %mul3A_629, %sub3A_637 : vector<16xf32>
      %mul3A_639 = arith.constant 5.000000e-01 : f32
      %mul3A_640 = vector.broadcast %mul3A_639 : f32 to vector<16xf32>
      %mul3A_641 = arith.mulf %mul3A_640, %sub3A_540 : vector<16xf32>
      %mul3A_642 = arith.mulf %mul3A_641, %mul3A_638 : vector<16xf32>
      %mul3A_643 = arith.mulf %mul3A_642, %mul3A_638 : vector<16xf32>
      %sub3A_644 = arith.constant 1.500000e+00 : f32
      %sub3A_645 = vector.broadcast %sub3A_644 : f32 to vector<16xf32>
      %sub3A_646 = arith.subf %sub3A_645, %mul3A_643 : vector<16xf32>
      %mul3A_647 = arith.mulf %mul3A_638, %sub3A_646 : vector<16xf32>
      %mul3A_648 = arith.constant 56.1652832 : f32
      %mul3A_649 = vector.broadcast %mul3A_648 : f32 to vector<16xf32>
      %mul3A_650 = arith.mulf %mul3A_649, %min3A_536 : vector<16xf32>
      %mul3A_651 = arith.mulf %sub3A_540, %mul3A_647 : vector<16xf32>
      %mul3A_652 = arith.constant 30.6832352 : f32
      %mul3A_653 = vector.broadcast %mul3A_652 : f32 to vector<16xf32>
      %mul3A_654 = arith.mulf %mul3A_653, %mul3A_651 : vector<16xf32>
      %sub3A_655 = arith.subf %mul3A_650, %mul3A_654 : vector<16xf32>
      %swap3A_656 = arith.constant 32 : index
      %swap3A_657 = tpu.vector_load %arg7[%swap3A_656] {strides = array<i32>} : memref<128xf32, #tpu.memory_space<vmem>>, vector<16xf32>,
      %swap3A_658 = vector.shape_cast %swap3A_657 : vector<16xf32> to vector<16xf32>
      %swap3A_659 = vector.shape_cast %sub3A_655 : vector<16xf32> to vector<16xf32>
      tpu.vector_store %arg7[%swap3A_656], %swap3A_659 {strides = array<i32>} : memref<128xf32, #tpu.memory_space<vmem>>, vector<16xf32>,
      %and3A_660 = arith.constant 127 : i32
      %and3A_661 = arith.andi %squeeze3A_19, %and3A_660 : i32
      %shift_right_arithmetic3A_662 = arith.constant 4 : i32
      %shift_right_arithmetic3A_663 = arith.shrsi %and3A_661, %shift_right_arithmetic3A_662 : i32
      %shift_left3A_664 = arith.constant 4 : i32
      %shift_left3A_665 = arith.shli %shift_right_arithmetic3A_663, %shift_left3A_664 : i32
      %multiple_of3A_666 = tpu.assume_multiple %shift_left3A_665, 16 : i32
      %get3A_667 = arith.constant 3 : i32
      %get3A_668 = arith.constant 3 : i32
      %get3A_669 = arith.index_cast %get3A_667 : i32 to index
      %get3A_670 = arith.index_cast %get3A_668 : i32 to index
      %get3A_671 = arith.index_cast %multiple_of3A_666 : i32 to index
      %get3A_672 = tpu.vector_load %arg6[%get3A_669, %get3A_670, %get3A_671] {strides = array<i32>} : memref<8x8x128xf32, #tpu.memory_space<vmem>>, vector<1x1x16xf32>,
      %get3A_673 = vector.shape_cast %get3A_672 : vector<1x1x16xf32> to vector<16xf32>
      %jit3A_674 = arith.constant -0.999998986 : f32
      %jit3A_675 = arith.constant 0.999998986 : f32
      %max3A_676 = vector.broadcast %jit3A_674 : f32 to vector<16xf32>
      %max3A_677 = arith.maximumf %max3A_676, %get3A_673 : vector<16xf32>
      %min3A_678 = vector.broadcast %jit3A_675 : f32 to vector<16xf32>
      %min3A_679 = arith.minimumf %min3A_678, %max3A_677 : vector<16xf32>
      %mul3A_680 = arith.mulf %min3A_679, %min3A_679 : vector<16xf32>
      %sub3A_681 = arith.constant 1.000000e+00 : f32
      %sub3A_682 = vector.broadcast %sub3A_681 : f32 to vector<16xf32>
      %sub3A_683 = arith.subf %sub3A_682, %mul3A_680 : vector<16xf32>
      %broadcast_in_dim3A_684 = arith.constant 1.41421354 : f32
      %broadcast_in_dim3A_685 = vector.broadcast %broadcast_in_dim3A_684 : f32 to vector<16xf32>
      %lt3A_686 = arith.constant 2.500000e-01 : f32
      %lt3A_687 = vector.broadcast %lt3A_686 : f32 to vector<16xf32>
      %lt3A_688 = arith.cmpf olt, %sub3A_683, %lt3A_687 : vector<16xf32>
      %broadcast_in_dim3A_689 = arith.constant 2.82842708 : f32
      %broadcast_in_dim3A_690 = vector.broadcast %broadcast_in_dim3A_689 : f32 to vector<16xf32>
      %select_n3A_691 = arith.select %lt3A_688, %broadcast_in_dim3A_690, %broadcast_in_dim3A_685 : vector<16xi1>, vector<16xf32>
      %lt3A_692 = arith.constant 6.250000e-02 : f32
      %lt3A_693 = vector.broadcast %lt3A_692 : f32 to vector<16xf32>
      %lt3A_694 = arith.cmpf olt, %sub3A_683, %lt3A_693 : vector<16xf32>
      %broadcast_in_dim3A_695 = arith.constant 5.65685415 : f32
      %broadcast_in_dim3A_696 = vector.broadcast %broadcast_in_dim3A_695 : f32 to vector<16xf32>
      %select_n3A_697 = arith.select %lt3A_694, %broadcast_in_dim3A_696, %select_n3A_691 : vector<16xi1>, vector<16xf32>
      %lt3A_698 = arith.constant 1.562500e-02 : f32
      %lt3A_699 = vector.broadcast %lt3A_698 : f32 to vector<16xf32>
      %lt3A_700 = arith.cmpf olt, %sub3A_683, %lt3A_699 : vector<16xf32>
      %broadcast_in_dim3A_701 = arith.constant 11.3137083 : f32
      %broadcast_in_dim3A_702 = vector.broadcast %broadcast_in_dim3A_701 : f32 to vector<16xf32>
      %select_n3A_703 = arith.select %lt3A_700, %broadcast_in_dim3A_702, %select_n3A_697 : vector<16xi1>, vector<16xf32>
      %lt3A_704 = arith.constant 3.906250e-03 : f32
      %lt3A_705 = vector.broadcast %lt3A_704 : f32 to vector<16xf32>
      %lt3A_706 = arith.cmpf olt, %sub3A_683, %lt3A_705 : vector<16xf32>
      %broadcast_in_dim3A_707 = arith.constant 22.6274166 : f32
      %broadcast_in_dim3A_708 = vector.broadcast %broadcast_in_dim3A_707 : f32 to vector<16xf32>
      %select_n3A_709 = arith.select %lt3A_706, %broadcast_in_dim3A_708, %select_n3A_703 : vector<16xi1>, vector<16xf32>
      %lt3A_710 = arith.constant 9.765625E-4 : f32
      %lt3A_711 = vector.broadcast %lt3A_710 : f32 to vector<16xf32>
      %lt3A_712 = arith.cmpf olt, %sub3A_683, %lt3A_711 : vector<16xf32>
      %broadcast_in_dim3A_713 = arith.constant 45.2548332 : f32
      %broadcast_in_dim3A_714 = vector.broadcast %broadcast_in_dim3A_713 : f32 to vector<16xf32>
      %select_n3A_715 = arith.select %lt3A_712, %broadcast_in_dim3A_714, %select_n3A_709 : vector<16xi1>, vector<16xf32>
      %lt3A_716 = arith.constant 2.44140625E-4 : f32
      %lt3A_717 = vector.broadcast %lt3A_716 : f32 to vector<16xf32>
      %lt3A_718 = arith.cmpf olt, %sub3A_683, %lt3A_717 : vector<16xf32>
      %broadcast_in_dim3A_719 = arith.constant 90.5096664 : f32
      %broadcast_in_dim3A_720 = vector.broadcast %broadcast_in_dim3A_719 : f32 to vector<16xf32>
      %select_n3A_721 = arith.select %lt3A_718, %broadcast_in_dim3A_720, %select_n3A_715 : vector<16xi1>, vector<16xf32>
      %lt3A_722 = arith.constant 6.10351563E-5 : f32
      %lt3A_723 = vector.broadcast %lt3A_722 : f32 to vector<16xf32>
      %lt3A_724 = arith.cmpf olt, %sub3A_683, %lt3A_723 : vector<16xf32>
      %broadcast_in_dim3A_725 = arith.constant 181.019333 : f32
      %broadcast_in_dim3A_726 = vector.broadcast %broadcast_in_dim3A_725 : f32 to vector<16xf32>
      %select_n3A_727 = arith.select %lt3A_724, %broadcast_in_dim3A_726, %select_n3A_721 : vector<16xi1>, vector<16xf32>
      %lt3A_728 = arith.constant 1.52587891E-5 : f32
      %lt3A_729 = vector.broadcast %lt3A_728 : f32 to vector<16xf32>
      %lt3A_730 = arith.cmpf olt, %sub3A_683, %lt3A_729 : vector<16xf32>
      %broadcast_in_dim3A_731 = arith.constant 362.038666 : f32
      %broadcast_in_dim3A_732 = vector.broadcast %broadcast_in_dim3A_731 : f32 to vector<16xf32>
      %select_n3A_733 = arith.select %lt3A_730, %broadcast_in_dim3A_732, %select_n3A_727 : vector<16xi1>, vector<16xf32>
      %lt3A_734 = arith.constant 3.81469727E-6 : f32
      %lt3A_735 = vector.broadcast %lt3A_734 : f32 to vector<16xf32>
      %lt3A_736 = arith.cmpf olt, %sub3A_683, %lt3A_735 : vector<16xf32>
      %broadcast_in_dim3A_737 = arith.constant 724.077331 : f32
      %broadcast_in_dim3A_738 = vector.broadcast %broadcast_in_dim3A_737 : f32 to vector<16xf32>
      %select_n3A_739 = arith.select %lt3A_736, %broadcast_in_dim3A_738, %select_n3A_733 : vector<16xi1>, vector<16xf32>
      %lt3A_740 = arith.constant 9.53674316E-7 : f32
      %lt3A_741 = vector.broadcast %lt3A_740 : f32 to vector<16xf32>
      %lt3A_742 = arith.cmpf olt, %sub3A_683, %lt3A_741 : vector<16xf32>
      %broadcast_in_dim3A_743 = arith.constant 1448.15466 : f32
      %broadcast_in_dim3A_744 = vector.broadcast %broadcast_in_dim3A_743 : f32 to vector<16xf32>
      %select_n3A_745 = arith.select %lt3A_742, %broadcast_in_dim3A_744, %select_n3A_739 : vector<16xi1>, vector<16xf32>
      %mul3A_746 = arith.constant 5.000000e-01 : f32
      %mul3A_747 = vector.broadcast %mul3A_746 : f32 to vector<16xf32>
      %mul3A_748 = arith.mulf %mul3A_747, %sub3A_683 : vector<16xf32>
      %mul3A_749 = arith.mulf %mul3A_748, %select_n3A_745 : vector<16xf32>
      %mul3A_750 = arith.mulf %mul3A_749, %select_n3A_745 : vector<16xf32>
      %sub3A_751 = arith.constant 1.500000e+00 : f32
      %sub3A_752 = vector.broadcast %sub3A_751 : f32 to vector<16xf32>
      %sub3A_753 = arith.subf %sub3A_752, %mul3A_750 : vector<16xf32>
      %mul3A_754 = arith.mulf %select_n3A_745, %sub3A_753 : vector<16xf32>
      %mul3A_755 = arith.constant 5.000000e-01 : f32
      %mul3A_756 = vector.broadcast %mul3A_755 : f32 to vector<16xf32>
      %mul3A_757 = arith.mulf %mul3A_756, %sub3A_683 : vector<16xf32>
      %mul3A_758 = arith.mulf %mul3A_757, %mul3A_754 : vector<16xf32>
      %mul3A_759 = arith.mulf %mul3A_758, %mul3A_754 : vector<16xf32>
      %sub3A_760 = arith.constant 1.500000e+00 : f32
      %sub3A_761 = vector.broadcast %sub3A_760 : f32 to vector<16xf32>
      %sub3A_762 = arith.subf %sub3A_761, %mul3A_759 : vector<16xf32>
      %mul3A_763 = arith.mulf %mul3A_754, %sub3A_762 : vector<16xf32>
      %mul3A_764 = arith.constant 5.000000e-01 : f32
      %mul3A_765 = vector.broadcast %mul3A_764 : f32 to vector<16xf32>
      %mul3A_766 = arith.mulf %mul3A_765, %sub3A_683 : vector<16xf32>
      %mul3A_767 = arith.mulf %mul3A_766, %mul3A_763 : vector<16xf32>
      %mul3A_768 = arith.mulf %mul3A_767, %mul3A_763 : vector<16xf32>
      %sub3A_769 = arith.constant 1.500000e+00 : f32
      %sub3A_770 = vector.broadcast %sub3A_769 : f32 to vector<16xf32>
      %sub3A_771 = arith.subf %sub3A_770, %mul3A_768 : vector<16xf32>
      %mul3A_772 = arith.mulf %mul3A_763, %sub3A_771 : vector<16xf32>
      %mul3A_773 = arith.constant 5.000000e-01 : f32
      %mul3A_774 = vector.broadcast %mul3A_773 : f32 to vector<16xf32>
      %mul3A_775 = arith.mulf %mul3A_774, %sub3A_683 : vector<16xf32>
      %mul3A_776 = arith.mulf %mul3A_775, %mul3A_772 : vector<16xf32>
      %mul3A_777 = arith.mulf %mul3A_776, %mul3A_772 : vector<16xf32>
      %sub3A_778 = arith.constant 1.500000e+00 : f32
      %sub3A_779 = vector.broadcast %sub3A_778 : f32 to vector<16xf32>
      %sub3A_780 = arith.subf %sub3A_779, %mul3A_777 : vector<16xf32>
      %mul3A_781 = arith.mulf %mul3A_772, %sub3A_780 : vector<16xf32>
      %mul3A_782 = arith.constant 5.000000e-01 : f32
      %mul3A_783 = vector.broadcast %mul3A_782 : f32 to vector<16xf32>
      %mul3A_784 = arith.mulf %mul3A_783, %sub3A_683 : vector<16xf32>
      %mul3A_785 = arith.mulf %mul3A_784, %mul3A_781 : vector<16xf32>
      %mul3A_786 = arith.mulf %mul3A_785, %mul3A_781 : vector<16xf32>
      %sub3A_787 = arith.constant 1.500000e+00 : f32
      %sub3A_788 = vector.broadcast %sub3A_787 : f32 to vector<16xf32>
      %sub3A_789 = arith.subf %sub3A_788, %mul3A_786 : vector<16xf32>
      %mul3A_790 = arith.mulf %mul3A_781, %sub3A_789 : vector<16xf32>
      %mul3A_791 = arith.constant 56.1652832 : f32
      %mul3A_792 = vector.broadcast %mul3A_791 : f32 to vector<16xf32>
      %mul3A_793 = arith.mulf %mul3A_792, %min3A_679 : vector<16xf32>
      %mul3A_794 = arith.mulf %sub3A_683, %mul3A_790 : vector<16xf32>
      %mul3A_795 = arith.constant 30.6832352 : f32
      %mul3A_796 = vector.broadcast %mul3A_795 : f32 to vector<16xf32>
      %mul3A_797 = arith.mulf %mul3A_796, %mul3A_794 : vector<16xf32>
      %sub3A_798 = arith.subf %mul3A_793, %mul3A_797 : vector<16xf32>
      %swap3A_799 = arith.constant 48 : index
      %swap3A_800 = tpu.vector_load %arg7[%swap3A_799] {strides = array<i32>} : memref<128xf32, #tpu.memory_space<vmem>>, vector<16xf32>,
      %swap3A_801 = vector.shape_cast %swap3A_800 : vector<16xf32> to vector<16xf32>
      %swap3A_802 = vector.shape_cast %sub3A_798 : vector<16xf32> to vector<16xf32>
      tpu.vector_store %arg7[%swap3A_799], %swap3A_802 {strides = array<i32>} : memref<128xf32, #tpu.memory_space<vmem>>, vector<16xf32>,
      %and3A_803 = arith.constant 127 : i32
      %and3A_804 = arith.andi %squeeze3A_21, %and3A_803 : i32
      %shift_right_arithmetic3A_805 = arith.constant 4 : i32
      %shift_right_arithmetic3A_806 = arith.shrsi %and3A_804, %shift_right_arithmetic3A_805 : i32
      %shift_left3A_807 = arith.constant 4 : i32
      %shift_left3A_808 = arith.shli %shift_right_arithmetic3A_806, %shift_left3A_807 : i32
      %multiple_of3A_809 = tpu.assume_multiple %shift_left3A_808, 16 : i32
      %get3A_810 = arith.constant 4 : i32
      %get3A_811 = arith.constant 4 : i32
      %get3A_812 = arith.index_cast %get3A_810 : i32 to index
      %get3A_813 = arith.index_cast %get3A_811 : i32 to index
      %get3A_814 = arith.index_cast %multiple_of3A_809 : i32 to index
      %get3A_815 = tpu.vector_load %arg6[%get3A_812, %get3A_813, %get3A_814] {strides = array<i32>} : memref<8x8x128xf32, #tpu.memory_space<vmem>>, vector<1x1x16xf32>,
      %get3A_816 = vector.shape_cast %get3A_815 : vector<1x1x16xf32> to vector<16xf32>
      %jit3A_817 = arith.constant -0.999998986 : f32
      %jit3A_818 = arith.constant 0.999998986 : f32
      %max3A_819 = vector.broadcast %jit3A_817 : f32 to vector<16xf32>
      %max3A_820 = arith.maximumf %max3A_819, %get3A_816 : vector<16xf32>
      %min3A_821 = vector.broadcast %jit3A_818 : f32 to vector<16xf32>
      %min3A_822 = arith.minimumf %min3A_821, %max3A_820 : vector<16xf32>
      %mul3A_823 = arith.mulf %min3A_822, %min3A_822 : vector<16xf32>
      %sub3A_824 = arith.constant 1.000000e+00 : f32
      %sub3A_825 = vector.broadcast %sub3A_824 : f32 to vector<16xf32>
      %sub3A_826 = arith.subf %sub3A_825, %mul3A_823 : vector<16xf32>
      %broadcast_in_dim3A_827 = arith.constant 1.41421354 : f32
      %broadcast_in_dim3A_828 = vector.broadcast %broadcast_in_dim3A_827 : f32 to vector<16xf32>
      %lt3A_829 = arith.constant 2.500000e-01 : f32
      %lt3A_830 = vector.broadcast %lt3A_829 : f32 to vector<16xf32>
      %lt3A_831 = arith.cmpf olt, %sub3A_826, %lt3A_830 : vector<16xf32>
      %broadcast_in_dim3A_832 = arith.constant 2.82842708 : f32
      %broadcast_in_dim3A_833 = vector.broadcast %broadcast_in_dim3A_832 : f32 to vector<16xf32>
      %select_n3A_834 = arith.select %lt3A_831, %broadcast_in_dim3A_833, %broadcast_in_dim3A_828 : vector<16xi1>, vector<16xf32>
      %lt3A_835 = arith.constant 6.250000e-02 : f32
      %lt3A_836 = vector.broadcast %lt3A_835 : f32 to vector<16xf32>
      %lt3A_837 = arith.cmpf olt, %sub3A_826, %lt3A_836 : vector<16xf32>
      %broadcast_in_dim3A_838 = arith.constant 5.65685415 : f32
      %broadcast_in_dim3A_839 = vector.broadcast %broadcast_in_dim3A_838 : f32 to vector<16xf32>
      %select_n3A_840 = arith.select %lt3A_837, %broadcast_in_dim3A_839, %select_n3A_834 : vector<16xi1>, vector<16xf32>
      %lt3A_841 = arith.constant 1.562500e-02 : f32
      %lt3A_842 = vector.broadcast %lt3A_841 : f32 to vector<16xf32>
      %lt3A_843 = arith.cmpf olt, %sub3A_826, %lt3A_842 : vector<16xf32>
      %broadcast_in_dim3A_844 = arith.constant 11.3137083 : f32
      %broadcast_in_dim3A_845 = vector.broadcast %broadcast_in_dim3A_844 : f32 to vector<16xf32>
      %select_n3A_846 = arith.select %lt3A_843, %broadcast_in_dim3A_845, %select_n3A_840 : vector<16xi1>, vector<16xf32>
      %lt3A_847 = arith.constant 3.906250e-03 : f32
      %lt3A_848 = vector.broadcast %lt3A_847 : f32 to vector<16xf32>
      %lt3A_849 = arith.cmpf olt, %sub3A_826, %lt3A_848 : vector<16xf32>
      %broadcast_in_dim3A_850 = arith.constant 22.6274166 : f32
      %broadcast_in_dim3A_851 = vector.broadcast %broadcast_in_dim3A_850 : f32 to vector<16xf32>
      %select_n3A_852 = arith.select %lt3A_849, %broadcast_in_dim3A_851, %select_n3A_846 : vector<16xi1>, vector<16xf32>
      %lt3A_853 = arith.constant 9.765625E-4 : f32
      %lt3A_854 = vector.broadcast %lt3A_853 : f32 to vector<16xf32>
      %lt3A_855 = arith.cmpf olt, %sub3A_826, %lt3A_854 : vector<16xf32>
      %broadcast_in_dim3A_856 = arith.constant 45.2548332 : f32
      %broadcast_in_dim3A_857 = vector.broadcast %broadcast_in_dim3A_856 : f32 to vector<16xf32>
      %select_n3A_858 = arith.select %lt3A_855, %broadcast_in_dim3A_857, %select_n3A_852 : vector<16xi1>, vector<16xf32>
      %lt3A_859 = arith.constant 2.44140625E-4 : f32
      %lt3A_860 = vector.broadcast %lt3A_859 : f32 to vector<16xf32>
      %lt3A_861 = arith.cmpf olt, %sub3A_826, %lt3A_860 : vector<16xf32>
      %broadcast_in_dim3A_862 = arith.constant 90.5096664 : f32
      %broadcast_in_dim3A_863 = vector.broadcast %broadcast_in_dim3A_862 : f32 to vector<16xf32>
      %select_n3A_864 = arith.select %lt3A_861, %broadcast_in_dim3A_863, %select_n3A_858 : vector<16xi1>, vector<16xf32>
      %lt3A_865 = arith.constant 6.10351563E-5 : f32
      %lt3A_866 = vector.broadcast %lt3A_865 : f32 to vector<16xf32>
      %lt3A_867 = arith.cmpf olt, %sub3A_826, %lt3A_866 : vector<16xf32>
      %broadcast_in_dim3A_868 = arith.constant 181.019333 : f32
      %broadcast_in_dim3A_869 = vector.broadcast %broadcast_in_dim3A_868 : f32 to vector<16xf32>
      %select_n3A_870 = arith.select %lt3A_867, %broadcast_in_dim3A_869, %select_n3A_864 : vector<16xi1>, vector<16xf32>
      %lt3A_871 = arith.constant 1.52587891E-5 : f32
      %lt3A_872 = vector.broadcast %lt3A_871 : f32 to vector<16xf32>
      %lt3A_873 = arith.cmpf olt, %sub3A_826, %lt3A_872 : vector<16xf32>
      %broadcast_in_dim3A_874 = arith.constant 362.038666 : f32
      %broadcast_in_dim3A_875 = vector.broadcast %broadcast_in_dim3A_874 : f32 to vector<16xf32>
      %select_n3A_876 = arith.select %lt3A_873, %broadcast_in_dim3A_875, %select_n3A_870 : vector<16xi1>, vector<16xf32>
      %lt3A_877 = arith.constant 3.81469727E-6 : f32
      %lt3A_878 = vector.broadcast %lt3A_877 : f32 to vector<16xf32>
      %lt3A_879 = arith.cmpf olt, %sub3A_826, %lt3A_878 : vector<16xf32>
      %broadcast_in_dim3A_880 = arith.constant 724.077331 : f32
      %broadcast_in_dim3A_881 = vector.broadcast %broadcast_in_dim3A_880 : f32 to vector<16xf32>
      %select_n3A_882 = arith.select %lt3A_879, %broadcast_in_dim3A_881, %select_n3A_876 : vector<16xi1>, vector<16xf32>
      %lt3A_883 = arith.constant 9.53674316E-7 : f32
      %lt3A_884 = vector.broadcast %lt3A_883 : f32 to vector<16xf32>
      %lt3A_885 = arith.cmpf olt, %sub3A_826, %lt3A_884 : vector<16xf32>
      %broadcast_in_dim3A_886 = arith.constant 1448.15466 : f32
      %broadcast_in_dim3A_887 = vector.broadcast %broadcast_in_dim3A_886 : f32 to vector<16xf32>
      %select_n3A_888 = arith.select %lt3A_885, %broadcast_in_dim3A_887, %select_n3A_882 : vector<16xi1>, vector<16xf32>
      %mul3A_889 = arith.constant 5.000000e-01 : f32
      %mul3A_890 = vector.broadcast %mul3A_889 : f32 to vector<16xf32>
      %mul3A_891 = arith.mulf %mul3A_890, %sub3A_826 : vector<16xf32>
      %mul3A_892 = arith.mulf %mul3A_891, %select_n3A_888 : vector<16xf32>
      %mul3A_893 = arith.mulf %mul3A_892, %select_n3A_888 : vector<16xf32>
      %sub3A_894 = arith.constant 1.500000e+00 : f32
      %sub3A_895 = vector.broadcast %sub3A_894 : f32 to vector<16xf32>
      %sub3A_896 = arith.subf %sub3A_895, %mul3A_893 : vector<16xf32>
      %mul3A_897 = arith.mulf %select_n3A_888, %sub3A_896 : vector<16xf32>
      %mul3A_898 = arith.constant 5.000000e-01 : f32
      %mul3A_899 = vector.broadcast %mul3A_898 : f32 to vector<16xf32>
      %mul3A_900 = arith.mulf %mul3A_899, %sub3A_826 : vector<16xf32>
      %mul3A_901 = arith.mulf %mul3A_900, %mul3A_897 : vector<16xf32>
      %mul3A_902 = arith.mulf %mul3A_901, %mul3A_897 : vector<16xf32>
      %sub3A_903 = arith.constant 1.500000e+00 : f32
      %sub3A_904 = vector.broadcast %sub3A_903 : f32 to vector<16xf32>
      %sub3A_905 = arith.subf %sub3A_904, %mul3A_902 : vector<16xf32>
      %mul3A_906 = arith.mulf %mul3A_897, %sub3A_905 : vector<16xf32>
      %mul3A_907 = arith.constant 5.000000e-01 : f32
      %mul3A_908 = vector.broadcast %mul3A_907 : f32 to vector<16xf32>
      %mul3A_909 = arith.mulf %mul3A_908, %sub3A_826 : vector<16xf32>
      %mul3A_910 = arith.mulf %mul3A_909, %mul3A_906 : vector<16xf32>
      %mul3A_911 = arith.mulf %mul3A_910, %mul3A_906 : vector<16xf32>
      %sub3A_912 = arith.constant 1.500000e+00 : f32
      %sub3A_913 = vector.broadcast %sub3A_912 : f32 to vector<16xf32>
      %sub3A_914 = arith.subf %sub3A_913, %mul3A_911 : vector<16xf32>
      %mul3A_915 = arith.mulf %mul3A_906, %sub3A_914 : vector<16xf32>
      %mul3A_916 = arith.constant 5.000000e-01 : f32
      %mul3A_917 = vector.broadcast %mul3A_916 : f32 to vector<16xf32>
      %mul3A_918 = arith.mulf %mul3A_917, %sub3A_826 : vector<16xf32>
      %mul3A_919 = arith.mulf %mul3A_918, %mul3A_915 : vector<16xf32>
      %mul3A_920 = arith.mulf %mul3A_919, %mul3A_915 : vector<16xf32>
      %sub3A_921 = arith.constant 1.500000e+00 : f32
      %sub3A_922 = vector.broadcast %sub3A_921 : f32 to vector<16xf32>
      %sub3A_923 = arith.subf %sub3A_922, %mul3A_920 : vector<16xf32>
      %mul3A_924 = arith.mulf %mul3A_915, %sub3A_923 : vector<16xf32>
      %mul3A_925 = arith.constant 5.000000e-01 : f32
      %mul3A_926 = vector.broadcast %mul3A_925 : f32 to vector<16xf32>
      %mul3A_927 = arith.mulf %mul3A_926, %sub3A_826 : vector<16xf32>
      %mul3A_928 = arith.mulf %mul3A_927, %mul3A_924 : vector<16xf32>
      %mul3A_929 = arith.mulf %mul3A_928, %mul3A_924 : vector<16xf32>
      %sub3A_930 = arith.constant 1.500000e+00 : f32
      %sub3A_931 = vector.broadcast %sub3A_930 : f32 to vector<16xf32>
      %sub3A_932 = arith.subf %sub3A_931, %mul3A_929 : vector<16xf32>
      %mul3A_933 = arith.mulf %mul3A_924, %sub3A_932 : vector<16xf32>
      %mul3A_934 = arith.constant 56.1652832 : f32
      %mul3A_935 = vector.broadcast %mul3A_934 : f32 to vector<16xf32>
      %mul3A_936 = arith.mulf %mul3A_935, %min3A_822 : vector<16xf32>
      %mul3A_937 = arith.mulf %sub3A_826, %mul3A_933 : vector<16xf32>
      %mul3A_938 = arith.constant 30.6832352 : f32
      %mul3A_939 = vector.broadcast %mul3A_938 : f32 to vector<16xf32>
      %mul3A_940 = arith.mulf %mul3A_939, %mul3A_937 : vector<16xf32>
      %sub3A_941 = arith.subf %mul3A_936, %mul3A_940 : vector<16xf32>
      %swap3A_942 = arith.constant 64 : index
      %swap3A_943 = tpu.vector_load %arg7[%swap3A_942] {strides = array<i32>} : memref<128xf32, #tpu.memory_space<vmem>>, vector<16xf32>,
      %swap3A_944 = vector.shape_cast %swap3A_943 : vector<16xf32> to vector<16xf32>
      %swap3A_945 = vector.shape_cast %sub3A_941 : vector<16xf32> to vector<16xf32>
      tpu.vector_store %arg7[%swap3A_942], %swap3A_945 {strides = array<i32>} : memref<128xf32, #tpu.memory_space<vmem>>, vector<16xf32>,
      %and3A_946 = arith.constant 127 : i32
      %and3A_947 = arith.andi %squeeze3A_23, %and3A_946 : i32
      %shift_right_arithmetic3A_948 = arith.constant 4 : i32
      %shift_right_arithmetic3A_949 = arith.shrsi %and3A_947, %shift_right_arithmetic3A_948 : i32
      %shift_left3A_950 = arith.constant 4 : i32
      %shift_left3A_951 = arith.shli %shift_right_arithmetic3A_949, %shift_left3A_950 : i32
      %multiple_of3A_952 = tpu.assume_multiple %shift_left3A_951, 16 : i32
      %get3A_953 = arith.constant 5 : i32
      %get3A_954 = arith.constant 5 : i32
      %get3A_955 = arith.index_cast %get3A_953 : i32 to index
      %get3A_956 = arith.index_cast %get3A_954 : i32 to index
      %get3A_957 = arith.index_cast %multiple_of3A_952 : i32 to index
      %get3A_958 = tpu.vector_load %arg6[%get3A_955, %get3A_956, %get3A_957] {strides = array<i32>} : memref<8x8x128xf32, #tpu.memory_space<vmem>>, vector<1x1x16xf32>,
      %get3A_959 = vector.shape_cast %get3A_958 : vector<1x1x16xf32> to vector<16xf32>
      %jit3A_960 = arith.constant -0.999998986 : f32
      %jit3A_961 = arith.constant 0.999998986 : f32
      %max3A_962 = vector.broadcast %jit3A_960 : f32 to vector<16xf32>
      %max3A_963 = arith.maximumf %max3A_962, %get3A_959 : vector<16xf32>
      %min3A_964 = vector.broadcast %jit3A_961 : f32 to vector<16xf32>
      %min3A_965 = arith.minimumf %min3A_964, %max3A_963 : vector<16xf32>
      %mul3A_966 = arith.mulf %min3A_965, %min3A_965 : vector<16xf32>
      %sub3A_967 = arith.constant 1.000000e+00 : f32
      %sub3A_968 = vector.broadcast %sub3A_967 : f32 to vector<16xf32>
      %sub3A_969 = arith.subf %sub3A_968, %mul3A_966 : vector<16xf32>
      %broadcast_in_dim3A_970 = arith.constant 1.41421354 : f32
      %broadcast_in_dim3A_971 = vector.broadcast %broadcast_in_dim3A_970 : f32 to vector<16xf32>
      %lt3A_972 = arith.constant 2.500000e-01 : f32
      %lt3A_973 = vector.broadcast %lt3A_972 : f32 to vector<16xf32>
      %lt3A_974 = arith.cmpf olt, %sub3A_969, %lt3A_973 : vector<16xf32>
      %broadcast_in_dim3A_975 = arith.constant 2.82842708 : f32
      %broadcast_in_dim3A_976 = vector.broadcast %broadcast_in_dim3A_975 : f32 to vector<16xf32>
      %select_n3A_977 = arith.select %lt3A_974, %broadcast_in_dim3A_976, %broadcast_in_dim3A_971 : vector<16xi1>, vector<16xf32>
      %lt3A_978 = arith.constant 6.250000e-02 : f32
      %lt3A_979 = vector.broadcast %lt3A_978 : f32 to vector<16xf32>
      %lt3A_980 = arith.cmpf olt, %sub3A_969, %lt3A_979 : vector<16xf32>
      %broadcast_in_dim3A_981 = arith.constant 5.65685415 : f32
      %broadcast_in_dim3A_982 = vector.broadcast %broadcast_in_dim3A_981 : f32 to vector<16xf32>
      %select_n3A_983 = arith.select %lt3A_980, %broadcast_in_dim3A_982, %select_n3A_977 : vector<16xi1>, vector<16xf32>
      %lt3A_984 = arith.constant 1.562500e-02 : f32
      %lt3A_985 = vector.broadcast %lt3A_984 : f32 to vector<16xf32>
      %lt3A_986 = arith.cmpf olt, %sub3A_969, %lt3A_985 : vector<16xf32>
      %broadcast_in_dim3A_987 = arith.constant 11.3137083 : f32
      %broadcast_in_dim3A_988 = vector.broadcast %broadcast_in_dim3A_987 : f32 to vector<16xf32>
      %select_n3A_989 = arith.select %lt3A_986, %broadcast_in_dim3A_988, %select_n3A_983 : vector<16xi1>, vector<16xf32>
      %lt3A_990 = arith.constant 3.906250e-03 : f32
      %lt3A_991 = vector.broadcast %lt3A_990 : f32 to vector<16xf32>
      %lt3A_992 = arith.cmpf olt, %sub3A_969, %lt3A_991 : vector<16xf32>
      %broadcast_in_dim3A_993 = arith.constant 22.6274166 : f32
      %broadcast_in_dim3A_994 = vector.broadcast %broadcast_in_dim3A_993 : f32 to vector<16xf32>
      %select_n3A_995 = arith.select %lt3A_992, %broadcast_in_dim3A_994, %select_n3A_989 : vector<16xi1>, vector<16xf32>
      %lt3A_996 = arith.constant 9.765625E-4 : f32
      %lt3A_997 = vector.broadcast %lt3A_996 : f32 to vector<16xf32>
      %lt3A_998 = arith.cmpf olt, %sub3A_969, %lt3A_997 : vector<16xf32>
      %broadcast_in_dim3A_999 = arith.constant 45.2548332 : f32
      %broadcast_in_dim3A_1000 = vector.broadcast %broadcast_in_dim3A_999 : f32 to vector<16xf32>
      %select_n3A_1001 = arith.select %lt3A_998, %broadcast_in_dim3A_1000, %select_n3A_995 : vector<16xi1>, vector<16xf32>
      %lt3A_1002 = arith.constant 2.44140625E-4 : f32
      %lt3A_1003 = vector.broadcast %lt3A_1002 : f32 to vector<16xf32>
      %lt3A_1004 = arith.cmpf olt, %sub3A_969, %lt3A_1003 : vector<16xf32>
      %broadcast_in_dim3A_1005 = arith.constant 90.5096664 : f32
      %broadcast_in_dim3A_1006 = vector.broadcast %broadcast_in_dim3A_1005 : f32 to vector<16xf32>
      %select_n3A_1007 = arith.select %lt3A_1004, %broadcast_in_dim3A_1006, %select_n3A_1001 : vector<16xi1>, vector<16xf32>
      %lt3A_1008 = arith.constant 6.10351563E-5 : f32
      %lt3A_1009 = vector.broadcast %lt3A_1008 : f32 to vector<16xf32>
      %lt3A_1010 = arith.cmpf olt, %sub3A_969, %lt3A_1009 : vector<16xf32>
      %broadcast_in_dim3A_1011 = arith.constant 181.019333 : f32
      %broadcast_in_dim3A_1012 = vector.broadcast %broadcast_in_dim3A_1011 : f32 to vector<16xf32>
      %select_n3A_1013 = arith.select %lt3A_1010, %broadcast_in_dim3A_1012, %select_n3A_1007 : vector<16xi1>, vector<16xf32>
      %lt3A_1014 = arith.constant 1.52587891E-5 : f32
      %lt3A_1015 = vector.broadcast %lt3A_1014 : f32 to vector<16xf32>
      %lt3A_1016 = arith.cmpf olt, %sub3A_969, %lt3A_1015 : vector<16xf32>
      %broadcast_in_dim3A_1017 = arith.constant 362.038666 : f32
      %broadcast_in_dim3A_1018 = vector.broadcast %broadcast_in_dim3A_1017 : f32 to vector<16xf32>
      %select_n3A_1019 = arith.select %lt3A_1016, %broadcast_in_dim3A_1018, %select_n3A_1013 : vector<16xi1>, vector<16xf32>
      %lt3A_1020 = arith.constant 3.81469727E-6 : f32
      %lt3A_1021 = vector.broadcast %lt3A_1020 : f32 to vector<16xf32>
      %lt3A_1022 = arith.cmpf olt, %sub3A_969, %lt3A_1021 : vector<16xf32>
      %broadcast_in_dim3A_1023 = arith.constant 724.077331 : f32
      %broadcast_in_dim3A_1024 = vector.broadcast %broadcast_in_dim3A_1023 : f32 to vector<16xf32>
      %select_n3A_1025 = arith.select %lt3A_1022, %broadcast_in_dim3A_1024, %select_n3A_1019 : vector<16xi1>, vector<16xf32>
      %lt3A_1026 = arith.constant 9.53674316E-7 : f32
      %lt3A_1027 = vector.broadcast %lt3A_1026 : f32 to vector<16xf32>
      %lt3A_1028 = arith.cmpf olt, %sub3A_969, %lt3A_1027 : vector<16xf32>
      %broadcast_in_dim3A_1029 = arith.constant 1448.15466 : f32
      %broadcast_in_dim3A_1030 = vector.broadcast %broadcast_in_dim3A_1029 : f32 to vector<16xf32>
      %select_n3A_1031 = arith.select %lt3A_1028, %broadcast_in_dim3A_1030, %select_n3A_1025 : vector<16xi1>, vector<16xf32>
      %mul3A_1032 = arith.constant 5.000000e-01 : f32
      %mul3A_1033 = vector.broadcast %mul3A_1032 : f32 to vector<16xf32>
      %mul3A_1034 = arith.mulf %mul3A_1033, %sub3A_969 : vector<16xf32>
      %mul3A_1035 = arith.mulf %mul3A_1034, %select_n3A_1031 : vector<16xf32>
      %mul3A_1036 = arith.mulf %mul3A_1035, %select_n3A_1031 : vector<16xf32>
      %sub3A_1037 = arith.constant 1.500000e+00 : f32
      %sub3A_1038 = vector.broadcast %sub3A_1037 : f32 to vector<16xf32>
      %sub3A_1039 = arith.subf %sub3A_1038, %mul3A_1036 : vector<16xf32>
      %mul3A_1040 = arith.mulf %select_n3A_1031, %sub3A_1039 : vector<16xf32>
      %mul3A_1041 = arith.constant 5.000000e-01 : f32
      %mul3A_1042 = vector.broadcast %mul3A_1041 : f32 to vector<16xf32>
      %mul3A_1043 = arith.mulf %mul3A_1042, %sub3A_969 : vector<16xf32>
      %mul3A_1044 = arith.mulf %mul3A_1043, %mul3A_1040 : vector<16xf32>
      %mul3A_1045 = arith.mulf %mul3A_1044, %mul3A_1040 : vector<16xf32>
      %sub3A_1046 = arith.constant 1.500000e+00 : f32
      %sub3A_1047 = vector.broadcast %sub3A_1046 : f32 to vector<16xf32>
      %sub3A_1048 = arith.subf %sub3A_1047, %mul3A_1045 : vector<16xf32>
      %mul3A_1049 = arith.mulf %mul3A_1040, %sub3A_1048 : vector<16xf32>
      %mul3A_1050 = arith.constant 5.000000e-01 : f32
      %mul3A_1051 = vector.broadcast %mul3A_1050 : f32 to vector<16xf32>
      %mul3A_1052 = arith.mulf %mul3A_1051, %sub3A_969 : vector<16xf32>
      %mul3A_1053 = arith.mulf %mul3A_1052, %mul3A_1049 : vector<16xf32>
      %mul3A_1054 = arith.mulf %mul3A_1053, %mul3A_1049 : vector<16xf32>
      %sub3A_1055 = arith.constant 1.500000e+00 : f32
      %sub3A_1056 = vector.broadcast %sub3A_1055 : f32 to vector<16xf32>
      %sub3A_1057 = arith.subf %sub3A_1056, %mul3A_1054 : vector<16xf32>
      %mul3A_1058 = arith.mulf %mul3A_1049, %sub3A_1057 : vector<16xf32>
      %mul3A_1059 = arith.constant 5.000000e-01 : f32
      %mul3A_1060 = vector.broadcast %mul3A_1059 : f32 to vector<16xf32>
      %mul3A_1061 = arith.mulf %mul3A_1060, %sub3A_969 : vector<16xf32>
      %mul3A_1062 = arith.mulf %mul3A_1061, %mul3A_1058 : vector<16xf32>
      %mul3A_1063 = arith.mulf %mul3A_1062, %mul3A_1058 : vector<16xf32>
      %sub3A_1064 = arith.constant 1.500000e+00 : f32
      %sub3A_1065 = vector.broadcast %sub3A_1064 : f32 to vector<16xf32>
      %sub3A_1066 = arith.subf %sub3A_1065, %mul3A_1063 : vector<16xf32>
      %mul3A_1067 = arith.mulf %mul3A_1058, %sub3A_1066 : vector<16xf32>
      %mul3A_1068 = arith.constant 5.000000e-01 : f32
      %mul3A_1069 = vector.broadcast %mul3A_1068 : f32 to vector<16xf32>
      %mul3A_1070 = arith.mulf %mul3A_1069, %sub3A_969 : vector<16xf32>
      %mul3A_1071 = arith.mulf %mul3A_1070, %mul3A_1067 : vector<16xf32>
      %mul3A_1072 = arith.mulf %mul3A_1071, %mul3A_1067 : vector<16xf32>
      %sub3A_1073 = arith.constant 1.500000e+00 : f32
      %sub3A_1074 = vector.broadcast %sub3A_1073 : f32 to vector<16xf32>
      %sub3A_1075 = arith.subf %sub3A_1074, %mul3A_1072 : vector<16xf32>
      %mul3A_1076 = arith.mulf %mul3A_1067, %sub3A_1075 : vector<16xf32>
      %mul3A_1077 = arith.constant 56.1652832 : f32
      %mul3A_1078 = vector.broadcast %mul3A_1077 : f32 to vector<16xf32>
      %mul3A_1079 = arith.mulf %mul3A_1078, %min3A_965 : vector<16xf32>
      %mul3A_1080 = arith.mulf %sub3A_969, %mul3A_1076 : vector<16xf32>
      %mul3A_1081 = arith.constant 30.6832352 : f32
      %mul3A_1082 = vector.broadcast %mul3A_1081 : f32 to vector<16xf32>
      %mul3A_1083 = arith.mulf %mul3A_1082, %mul3A_1080 : vector<16xf32>
      %sub3A_1084 = arith.subf %mul3A_1079, %mul3A_1083 : vector<16xf32>
      %swap3A_1085 = arith.constant 80 : index
      %swap3A_1086 = tpu.vector_load %arg7[%swap3A_1085] {strides = array<i32>} : memref<128xf32, #tpu.memory_space<vmem>>, vector<16xf32>,
      %swap3A_1087 = vector.shape_cast %swap3A_1086 : vector<16xf32> to vector<16xf32>
      %swap3A_1088 = vector.shape_cast %sub3A_1084 : vector<16xf32> to vector<16xf32>
      tpu.vector_store %arg7[%swap3A_1085], %swap3A_1088 {strides = array<i32>} : memref<128xf32, #tpu.memory_space<vmem>>, vector<16xf32>,
      %and3A_1089 = arith.constant 127 : i32
      %and3A_1090 = arith.andi %squeeze3A_25, %and3A_1089 : i32
      %shift_right_arithmetic3A_1091 = arith.constant 4 : i32
      %shift_right_arithmetic3A_1092 = arith.shrsi %and3A_1090, %shift_right_arithmetic3A_1091 : i32
      %shift_left3A_1093 = arith.constant 4 : i32
      %shift_left3A_1094 = arith.shli %shift_right_arithmetic3A_1092, %shift_left3A_1093 : i32
      %multiple_of3A_1095 = tpu.assume_multiple %shift_left3A_1094, 16 : i32
      %get3A_1096 = arith.constant 6 : i32
      %get3A_1097 = arith.constant 6 : i32
      %get3A_1098 = arith.index_cast %get3A_1096 : i32 to index
      %get3A_1099 = arith.index_cast %get3A_1097 : i32 to index
      %get3A_1100 = arith.index_cast %multiple_of3A_1095 : i32 to index
      %get3A_1101 = tpu.vector_load %arg6[%get3A_1098, %get3A_1099, %get3A_1100] {strides = array<i32>} : memref<8x8x128xf32, #tpu.memory_space<vmem>>, vector<1x1x16xf32>,
      %get3A_1102 = vector.shape_cast %get3A_1101 : vector<1x1x16xf32> to vector<16xf32>
      %jit3A_1103 = arith.constant -0.999998986 : f32
      %jit3A_1104 = arith.constant 0.999998986 : f32
      %max3A_1105 = vector.broadcast %jit3A_1103 : f32 to vector<16xf32>
      %max3A_1106 = arith.maximumf %max3A_1105, %get3A_1102 : vector<16xf32>
      %min3A_1107 = vector.broadcast %jit3A_1104 : f32 to vector<16xf32>
      %min3A_1108 = arith.minimumf %min3A_1107, %max3A_1106 : vector<16xf32>
      %mul3A_1109 = arith.mulf %min3A_1108, %min3A_1108 : vector<16xf32>
      %sub3A_1110 = arith.constant 1.000000e+00 : f32
      %sub3A_1111 = vector.broadcast %sub3A_1110 : f32 to vector<16xf32>
      %sub3A_1112 = arith.subf %sub3A_1111, %mul3A_1109 : vector<16xf32>
      %broadcast_in_dim3A_1113 = arith.constant 1.41421354 : f32
      %broadcast_in_dim3A_1114 = vector.broadcast %broadcast_in_dim3A_1113 : f32 to vector<16xf32>
      %lt3A_1115 = arith.constant 2.500000e-01 : f32
      %lt3A_1116 = vector.broadcast %lt3A_1115 : f32 to vector<16xf32>
      %lt3A_1117 = arith.cmpf olt, %sub3A_1112, %lt3A_1116 : vector<16xf32>
      %broadcast_in_dim3A_1118 = arith.constant 2.82842708 : f32
      %broadcast_in_dim3A_1119 = vector.broadcast %broadcast_in_dim3A_1118 : f32 to vector<16xf32>
      %select_n3A_1120 = arith.select %lt3A_1117, %broadcast_in_dim3A_1119, %broadcast_in_dim3A_1114 : vector<16xi1>, vector<16xf32>
      %lt3A_1121 = arith.constant 6.250000e-02 : f32
      %lt3A_1122 = vector.broadcast %lt3A_1121 : f32 to vector<16xf32>
      %lt3A_1123 = arith.cmpf olt, %sub3A_1112, %lt3A_1122 : vector<16xf32>
      %broadcast_in_dim3A_1124 = arith.constant 5.65685415 : f32
      %broadcast_in_dim3A_1125 = vector.broadcast %broadcast_in_dim3A_1124 : f32 to vector<16xf32>
      %select_n3A_1126 = arith.select %lt3A_1123, %broadcast_in_dim3A_1125, %select_n3A_1120 : vector<16xi1>, vector<16xf32>
      %lt3A_1127 = arith.constant 1.562500e-02 : f32
      %lt3A_1128 = vector.broadcast %lt3A_1127 : f32 to vector<16xf32>
      %lt3A_1129 = arith.cmpf olt, %sub3A_1112, %lt3A_1128 : vector<16xf32>
      %broadcast_in_dim3A_1130 = arith.constant 11.3137083 : f32
      %broadcast_in_dim3A_1131 = vector.broadcast %broadcast_in_dim3A_1130 : f32 to vector<16xf32>
      %select_n3A_1132 = arith.select %lt3A_1129, %broadcast_in_dim3A_1131, %select_n3A_1126 : vector<16xi1>, vector<16xf32>
      %lt3A_1133 = arith.constant 3.906250e-03 : f32
      %lt3A_1134 = vector.broadcast %lt3A_1133 : f32 to vector<16xf32>
      %lt3A_1135 = arith.cmpf olt, %sub3A_1112, %lt3A_1134 : vector<16xf32>
      %broadcast_in_dim3A_1136 = arith.constant 22.6274166 : f32
      %broadcast_in_dim3A_1137 = vector.broadcast %broadcast_in_dim3A_1136 : f32 to vector<16xf32>
      %select_n3A_1138 = arith.select %lt3A_1135, %broadcast_in_dim3A_1137, %select_n3A_1132 : vector<16xi1>, vector<16xf32>
      %lt3A_1139 = arith.constant 9.765625E-4 : f32
      %lt3A_1140 = vector.broadcast %lt3A_1139 : f32 to vector<16xf32>
      %lt3A_1141 = arith.cmpf olt, %sub3A_1112, %lt3A_1140 : vector<16xf32>
      %broadcast_in_dim3A_1142 = arith.constant 45.2548332 : f32
      %broadcast_in_dim3A_1143 = vector.broadcast %broadcast_in_dim3A_1142 : f32 to vector<16xf32>
      %select_n3A_1144 = arith.select %lt3A_1141, %broadcast_in_dim3A_1143, %select_n3A_1138 : vector<16xi1>, vector<16xf32>
      %lt3A_1145 = arith.constant 2.44140625E-4 : f32
      %lt3A_1146 = vector.broadcast %lt3A_1145 : f32 to vector<16xf32>
      %lt3A_1147 = arith.cmpf olt, %sub3A_1112, %lt3A_1146 : vector<16xf32>
      %broadcast_in_dim3A_1148 = arith.constant 90.5096664 : f32
      %broadcast_in_dim3A_1149 = vector.broadcast %broadcast_in_dim3A_1148 : f32 to vector<16xf32>
      %select_n3A_1150 = arith.select %lt3A_1147, %broadcast_in_dim3A_1149, %select_n3A_1144 : vector<16xi1>, vector<16xf32>
      %lt3A_1151 = arith.constant 6.10351563E-5 : f32
      %lt3A_1152 = vector.broadcast %lt3A_1151 : f32 to vector<16xf32>
      %lt3A_1153 = arith.cmpf olt, %sub3A_1112, %lt3A_1152 : vector<16xf32>
      %broadcast_in_dim3A_1154 = arith.constant 181.019333 : f32
      %broadcast_in_dim3A_1155 = vector.broadcast %broadcast_in_dim3A_1154 : f32 to vector<16xf32>
      %select_n3A_1156 = arith.select %lt3A_1153, %broadcast_in_dim3A_1155, %select_n3A_1150 : vector<16xi1>, vector<16xf32>
      %lt3A_1157 = arith.constant 1.52587891E-5 : f32
      %lt3A_1158 = vector.broadcast %lt3A_1157 : f32 to vector<16xf32>
      %lt3A_1159 = arith.cmpf olt, %sub3A_1112, %lt3A_1158 : vector<16xf32>
      %broadcast_in_dim3A_1160 = arith.constant 362.038666 : f32
      %broadcast_in_dim3A_1161 = vector.broadcast %broadcast_in_dim3A_1160 : f32 to vector<16xf32>
      %select_n3A_1162 = arith.select %lt3A_1159, %broadcast_in_dim3A_1161, %select_n3A_1156 : vector<16xi1>, vector<16xf32>
      %lt3A_1163 = arith.constant 3.81469727E-6 : f32
      %lt3A_1164 = vector.broadcast %lt3A_1163 : f32 to vector<16xf32>
      %lt3A_1165 = arith.cmpf olt, %sub3A_1112, %lt3A_1164 : vector<16xf32>
      %broadcast_in_dim3A_1166 = arith.constant 724.077331 : f32
      %broadcast_in_dim3A_1167 = vector.broadcast %broadcast_in_dim3A_1166 : f32 to vector<16xf32>
      %select_n3A_1168 = arith.select %lt3A_1165, %broadcast_in_dim3A_1167, %select_n3A_1162 : vector<16xi1>, vector<16xf32>
      %lt3A_1169 = arith.constant 9.53674316E-7 : f32
      %lt3A_1170 = vector.broadcast %lt3A_1169 : f32 to vector<16xf32>
      %lt3A_1171 = arith.cmpf olt, %sub3A_1112, %lt3A_1170 : vector<16xf32>
      %broadcast_in_dim3A_1172 = arith.constant 1448.15466 : f32
      %broadcast_in_dim3A_1173 = vector.broadcast %broadcast_in_dim3A_1172 : f32 to vector<16xf32>
      %select_n3A_1174 = arith.select %lt3A_1171, %broadcast_in_dim3A_1173, %select_n3A_1168 : vector<16xi1>, vector<16xf32>
      %mul3A_1175 = arith.constant 5.000000e-01 : f32
      %mul3A_1176 = vector.broadcast %mul3A_1175 : f32 to vector<16xf32>
      %mul3A_1177 = arith.mulf %mul3A_1176, %sub3A_1112 : vector<16xf32>
      %mul3A_1178 = arith.mulf %mul3A_1177, %select_n3A_1174 : vector<16xf32>
      %mul3A_1179 = arith.mulf %mul3A_1178, %select_n3A_1174 : vector<16xf32>
      %sub3A_1180 = arith.constant 1.500000e+00 : f32
      %sub3A_1181 = vector.broadcast %sub3A_1180 : f32 to vector<16xf32>
      %sub3A_1182 = arith.subf %sub3A_1181, %mul3A_1179 : vector<16xf32>
      %mul3A_1183 = arith.mulf %select_n3A_1174, %sub3A_1182 : vector<16xf32>
      %mul3A_1184 = arith.constant 5.000000e-01 : f32
      %mul3A_1185 = vector.broadcast %mul3A_1184 : f32 to vector<16xf32>
      %mul3A_1186 = arith.mulf %mul3A_1185, %sub3A_1112 : vector<16xf32>
      %mul3A_1187 = arith.mulf %mul3A_1186, %mul3A_1183 : vector<16xf32>
      %mul3A_1188 = arith.mulf %mul3A_1187, %mul3A_1183 : vector<16xf32>
      %sub3A_1189 = arith.constant 1.500000e+00 : f32
      %sub3A_1190 = vector.broadcast %sub3A_1189 : f32 to vector<16xf32>
      %sub3A_1191 = arith.subf %sub3A_1190, %mul3A_1188 : vector<16xf32>
      %mul3A_1192 = arith.mulf %mul3A_1183, %sub3A_1191 : vector<16xf32>
      %mul3A_1193 = arith.constant 5.000000e-01 : f32
      %mul3A_1194 = vector.broadcast %mul3A_1193 : f32 to vector<16xf32>
      %mul3A_1195 = arith.mulf %mul3A_1194, %sub3A_1112 : vector<16xf32>
      %mul3A_1196 = arith.mulf %mul3A_1195, %mul3A_1192 : vector<16xf32>
      %mul3A_1197 = arith.mulf %mul3A_1196, %mul3A_1192 : vector<16xf32>
      %sub3A_1198 = arith.constant 1.500000e+00 : f32
      %sub3A_1199 = vector.broadcast %sub3A_1198 : f32 to vector<16xf32>
      %sub3A_1200 = arith.subf %sub3A_1199, %mul3A_1197 : vector<16xf32>
      %mul3A_1201 = arith.mulf %mul3A_1192, %sub3A_1200 : vector<16xf32>
      %mul3A_1202 = arith.constant 5.000000e-01 : f32
      %mul3A_1203 = vector.broadcast %mul3A_1202 : f32 to vector<16xf32>
      %mul3A_1204 = arith.mulf %mul3A_1203, %sub3A_1112 : vector<16xf32>
      %mul3A_1205 = arith.mulf %mul3A_1204, %mul3A_1201 : vector<16xf32>
      %mul3A_1206 = arith.mulf %mul3A_1205, %mul3A_1201 : vector<16xf32>
      %sub3A_1207 = arith.constant 1.500000e+00 : f32
      %sub3A_1208 = vector.broadcast %sub3A_1207 : f32 to vector<16xf32>
      %sub3A_1209 = arith.subf %sub3A_1208, %mul3A_1206 : vector<16xf32>
      %mul3A_1210 = arith.mulf %mul3A_1201, %sub3A_1209 : vector<16xf32>
      %mul3A_1211 = arith.constant 5.000000e-01 : f32
      %mul3A_1212 = vector.broadcast %mul3A_1211 : f32 to vector<16xf32>
      %mul3A_1213 = arith.mulf %mul3A_1212, %sub3A_1112 : vector<16xf32>
      %mul3A_1214 = arith.mulf %mul3A_1213, %mul3A_1210 : vector<16xf32>
      %mul3A_1215 = arith.mulf %mul3A_1214, %mul3A_1210 : vector<16xf32>
      %sub3A_1216 = arith.constant 1.500000e+00 : f32
      %sub3A_1217 = vector.broadcast %sub3A_1216 : f32 to vector<16xf32>
      %sub3A_1218 = arith.subf %sub3A_1217, %mul3A_1215 : vector<16xf32>
      %mul3A_1219 = arith.mulf %mul3A_1210, %sub3A_1218 : vector<16xf32>
      %mul3A_1220 = arith.constant 56.1652832 : f32
      %mul3A_1221 = vector.broadcast %mul3A_1220 : f32 to vector<16xf32>
      %mul3A_1222 = arith.mulf %mul3A_1221, %min3A_1108 : vector<16xf32>
      %mul3A_1223 = arith.mulf %sub3A_1112, %mul3A_1219 : vector<16xf32>
      %mul3A_1224 = arith.constant 30.6832352 : f32
      %mul3A_1225 = vector.broadcast %mul3A_1224 : f32 to vector<16xf32>
      %mul3A_1226 = arith.mulf %mul3A_1225, %mul3A_1223 : vector<16xf32>
      %sub3A_1227 = arith.subf %mul3A_1222, %mul3A_1226 : vector<16xf32>
      %swap3A_1228 = arith.constant 96 : index
      %swap3A_1229 = tpu.vector_load %arg7[%swap3A_1228] {strides = array<i32>} : memref<128xf32, #tpu.memory_space<vmem>>, vector<16xf32>,
      %swap3A_1230 = vector.shape_cast %swap3A_1229 : vector<16xf32> to vector<16xf32>
      %swap3A_1231 = vector.shape_cast %sub3A_1227 : vector<16xf32> to vector<16xf32>
      tpu.vector_store %arg7[%swap3A_1228], %swap3A_1231 {strides = array<i32>} : memref<128xf32, #tpu.memory_space<vmem>>, vector<16xf32>,
      %and3A_1232 = arith.constant 127 : i32
      %and3A_1233 = arith.andi %squeeze3A_27, %and3A_1232 : i32
      %shift_right_arithmetic3A_1234 = arith.constant 4 : i32
      %shift_right_arithmetic3A_1235 = arith.shrsi %and3A_1233, %shift_right_arithmetic3A_1234 : i32
      %shift_left3A_1236 = arith.constant 4 : i32
      %shift_left3A_1237 = arith.shli %shift_right_arithmetic3A_1235, %shift_left3A_1236 : i32
      %multiple_of3A_1238 = tpu.assume_multiple %shift_left3A_1237, 16 : i32
      %get3A_1239 = arith.constant 7 : i32
      %get3A_1240 = arith.constant 7 : i32
      %get3A_1241 = arith.index_cast %get3A_1239 : i32 to index
      %get3A_1242 = arith.index_cast %get3A_1240 : i32 to index
      %get3A_1243 = arith.index_cast %multiple_of3A_1238 : i32 to index
      %get3A_1244 = tpu.vector_load %arg6[%get3A_1241, %get3A_1242, %get3A_1243] {strides = array<i32>} : memref<8x8x128xf32, #tpu.memory_space<vmem>>, vector<1x1x16xf32>,
      %get3A_1245 = vector.shape_cast %get3A_1244 : vector<1x1x16xf32> to vector<16xf32>
      %jit3A_1246 = arith.constant -0.999998986 : f32
      %jit3A_1247 = arith.constant 0.999998986 : f32
      %max3A_1248 = vector.broadcast %jit3A_1246 : f32 to vector<16xf32>
      %max3A_1249 = arith.maximumf %max3A_1248, %get3A_1245 : vector<16xf32>
      %min3A_1250 = vector.broadcast %jit3A_1247 : f32 to vector<16xf32>
      %min3A_1251 = arith.minimumf %min3A_1250, %max3A_1249 : vector<16xf32>
      %mul3A_1252 = arith.mulf %min3A_1251, %min3A_1251 : vector<16xf32>
      %sub3A_1253 = arith.constant 1.000000e+00 : f32
      %sub3A_1254 = vector.broadcast %sub3A_1253 : f32 to vector<16xf32>
      %sub3A_1255 = arith.subf %sub3A_1254, %mul3A_1252 : vector<16xf32>
      %broadcast_in_dim3A_1256 = arith.constant 1.41421354 : f32
      %broadcast_in_dim3A_1257 = vector.broadcast %broadcast_in_dim3A_1256 : f32 to vector<16xf32>
      %lt3A_1258 = arith.constant 2.500000e-01 : f32
      %lt3A_1259 = vector.broadcast %lt3A_1258 : f32 to vector<16xf32>
      %lt3A_1260 = arith.cmpf olt, %sub3A_1255, %lt3A_1259 : vector<16xf32>
      %broadcast_in_dim3A_1261 = arith.constant 2.82842708 : f32
      %broadcast_in_dim3A_1262 = vector.broadcast %broadcast_in_dim3A_1261 : f32 to vector<16xf32>
      %select_n3A_1263 = arith.select %lt3A_1260, %broadcast_in_dim3A_1262, %broadcast_in_dim3A_1257 : vector<16xi1>, vector<16xf32>
      %lt3A_1264 = arith.constant 6.250000e-02 : f32
      %lt3A_1265 = vector.broadcast %lt3A_1264 : f32 to vector<16xf32>
      %lt3A_1266 = arith.cmpf olt, %sub3A_1255, %lt3A_1265 : vector<16xf32>
      %broadcast_in_dim3A_1267 = arith.constant 5.65685415 : f32
      %broadcast_in_dim3A_1268 = vector.broadcast %broadcast_in_dim3A_1267 : f32 to vector<16xf32>
      %select_n3A_1269 = arith.select %lt3A_1266, %broadcast_in_dim3A_1268, %select_n3A_1263 : vector<16xi1>, vector<16xf32>
      %lt3A_1270 = arith.constant 1.562500e-02 : f32
      %lt3A_1271 = vector.broadcast %lt3A_1270 : f32 to vector<16xf32>
      %lt3A_1272 = arith.cmpf olt, %sub3A_1255, %lt3A_1271 : vector<16xf32>
      %broadcast_in_dim3A_1273 = arith.constant 11.3137083 : f32
      %broadcast_in_dim3A_1274 = vector.broadcast %broadcast_in_dim3A_1273 : f32 to vector<16xf32>
      %select_n3A_1275 = arith.select %lt3A_1272, %broadcast_in_dim3A_1274, %select_n3A_1269 : vector<16xi1>, vector<16xf32>
      %lt3A_1276 = arith.constant 3.906250e-03 : f32
      %lt3A_1277 = vector.broadcast %lt3A_1276 : f32 to vector<16xf32>
      %lt3A_1278 = arith.cmpf olt, %sub3A_1255, %lt3A_1277 : vector<16xf32>
      %broadcast_in_dim3A_1279 = arith.constant 22.6274166 : f32
      %broadcast_in_dim3A_1280 = vector.broadcast %broadcast_in_dim3A_1279 : f32 to vector<16xf32>
      %select_n3A_1281 = arith.select %lt3A_1278, %broadcast_in_dim3A_1280, %select_n3A_1275 : vector<16xi1>, vector<16xf32>
      %lt3A_1282 = arith.constant 9.765625E-4 : f32
      %lt3A_1283 = vector.broadcast %lt3A_1282 : f32 to vector<16xf32>
      %lt3A_1284 = arith.cmpf olt, %sub3A_1255, %lt3A_1283 : vector<16xf32>
      %broadcast_in_dim3A_1285 = arith.constant 45.2548332 : f32
      %broadcast_in_dim3A_1286 = vector.broadcast %broadcast_in_dim3A_1285 : f32 to vector<16xf32>
      %select_n3A_1287 = arith.select %lt3A_1284, %broadcast_in_dim3A_1286, %select_n3A_1281 : vector<16xi1>, vector<16xf32>
      %lt3A_1288 = arith.constant 2.44140625E-4 : f32
      %lt3A_1289 = vector.broadcast %lt3A_1288 : f32 to vector<16xf32>
      %lt3A_1290 = arith.cmpf olt, %sub3A_1255, %lt3A_1289 : vector<16xf32>
      %broadcast_in_dim3A_1291 = arith.constant 90.5096664 : f32
      %broadcast_in_dim3A_1292 = vector.broadcast %broadcast_in_dim3A_1291 : f32 to vector<16xf32>
      %select_n3A_1293 = arith.select %lt3A_1290, %broadcast_in_dim3A_1292, %select_n3A_1287 : vector<16xi1>, vector<16xf32>
      %lt3A_1294 = arith.constant 6.10351563E-5 : f32
      %lt3A_1295 = vector.broadcast %lt3A_1294 : f32 to vector<16xf32>
      %lt3A_1296 = arith.cmpf olt, %sub3A_1255, %lt3A_1295 : vector<16xf32>
      %broadcast_in_dim3A_1297 = arith.constant 181.019333 : f32
      %broadcast_in_dim3A_1298 = vector.broadcast %broadcast_in_dim3A_1297 : f32 to vector<16xf32>
      %select_n3A_1299 = arith.select %lt3A_1296, %broadcast_in_dim3A_1298, %select_n3A_1293 : vector<16xi1>, vector<16xf32>
      %lt3A_1300 = arith.constant 1.52587891E-5 : f32
      %lt3A_1301 = vector.broadcast %lt3A_1300 : f32 to vector<16xf32>
      %lt3A_1302 = arith.cmpf olt, %sub3A_1255, %lt3A_1301 : vector<16xf32>
      %broadcast_in_dim3A_1303 = arith.constant 362.038666 : f32
      %broadcast_in_dim3A_1304 = vector.broadcast %broadcast_in_dim3A_1303 : f32 to vector<16xf32>
      %select_n3A_1305 = arith.select %lt3A_1302, %broadcast_in_dim3A_1304, %select_n3A_1299 : vector<16xi1>, vector<16xf32>
      %lt3A_1306 = arith.constant 3.81469727E-6 : f32
      %lt3A_1307 = vector.broadcast %lt3A_1306 : f32 to vector<16xf32>
      %lt3A_1308 = arith.cmpf olt, %sub3A_1255, %lt3A_1307 : vector<16xf32>
      %broadcast_in_dim3A_1309 = arith.constant 724.077331 : f32
      %broadcast_in_dim3A_1310 = vector.broadcast %broadcast_in_dim3A_1309 : f32 to vector<16xf32>
      %select_n3A_1311 = arith.select %lt3A_1308, %broadcast_in_dim3A_1310, %select_n3A_1305 : vector<16xi1>, vector<16xf32>
      %lt3A_1312 = arith.constant 9.53674316E-7 : f32
      %lt3A_1313 = vector.broadcast %lt3A_1312 : f32 to vector<16xf32>
      %lt3A_1314 = arith.cmpf olt, %sub3A_1255, %lt3A_1313 : vector<16xf32>
      %broadcast_in_dim3A_1315 = arith.constant 1448.15466 : f32
      %broadcast_in_dim3A_1316 = vector.broadcast %broadcast_in_dim3A_1315 : f32 to vector<16xf32>
      %select_n3A_1317 = arith.select %lt3A_1314, %broadcast_in_dim3A_1316, %select_n3A_1311 : vector<16xi1>, vector<16xf32>
      %mul3A_1318 = arith.constant 5.000000e-01 : f32
      %mul3A_1319 = vector.broadcast %mul3A_1318 : f32 to vector<16xf32>
      %mul3A_1320 = arith.mulf %mul3A_1319, %sub3A_1255 : vector<16xf32>
      %mul3A_1321 = arith.mulf %mul3A_1320, %select_n3A_1317 : vector<16xf32>
      %mul3A_1322 = arith.mulf %mul3A_1321, %select_n3A_1317 : vector<16xf32>
      %sub3A_1323 = arith.constant 1.500000e+00 : f32
      %sub3A_1324 = vector.broadcast %sub3A_1323 : f32 to vector<16xf32>
      %sub3A_1325 = arith.subf %sub3A_1324, %mul3A_1322 : vector<16xf32>
      %mul3A_1326 = arith.mulf %select_n3A_1317, %sub3A_1325 : vector<16xf32>
      %mul3A_1327 = arith.constant 5.000000e-01 : f32
      %mul3A_1328 = vector.broadcast %mul3A_1327 : f32 to vector<16xf32>
      %mul3A_1329 = arith.mulf %mul3A_1328, %sub3A_1255 : vector<16xf32>
      %mul3A_1330 = arith.mulf %mul3A_1329, %mul3A_1326 : vector<16xf32>
      %mul3A_1331 = arith.mulf %mul3A_1330, %mul3A_1326 : vector<16xf32>
      %sub3A_1332 = arith.constant 1.500000e+00 : f32
      %sub3A_1333 = vector.broadcast %sub3A_1332 : f32 to vector<16xf32>
      %sub3A_1334 = arith.subf %sub3A_1333, %mul3A_1331 : vector<16xf32>
      %mul3A_1335 = arith.mulf %mul3A_1326, %sub3A_1334 : vector<16xf32>
      %mul3A_1336 = arith.constant 5.000000e-01 : f32
      %mul3A_1337 = vector.broadcast %mul3A_1336 : f32 to vector<16xf32>
      %mul3A_1338 = arith.mulf %mul3A_1337, %sub3A_1255 : vector<16xf32>
      %mul3A_1339 = arith.mulf %mul3A_1338, %mul3A_1335 : vector<16xf32>
      %mul3A_1340 = arith.mulf %mul3A_1339, %mul3A_1335 : vector<16xf32>
      %sub3A_1341 = arith.constant 1.500000e+00 : f32
      %sub3A_1342 = vector.broadcast %sub3A_1341 : f32 to vector<16xf32>
      %sub3A_1343 = arith.subf %sub3A_1342, %mul3A_1340 : vector<16xf32>
      %mul3A_1344 = arith.mulf %mul3A_1335, %sub3A_1343 : vector<16xf32>
      %mul3A_1345 = arith.constant 5.000000e-01 : f32
      %mul3A_1346 = vector.broadcast %mul3A_1345 : f32 to vector<16xf32>
      %mul3A_1347 = arith.mulf %mul3A_1346, %sub3A_1255 : vector<16xf32>
      %mul3A_1348 = arith.mulf %mul3A_1347, %mul3A_1344 : vector<16xf32>
      %mul3A_1349 = arith.mulf %mul3A_1348, %mul3A_1344 : vector<16xf32>
      %sub3A_1350 = arith.constant 1.500000e+00 : f32
      %sub3A_1351 = vector.broadcast %sub3A_1350 : f32 to vector<16xf32>
      %sub3A_1352 = arith.subf %sub3A_1351, %mul3A_1349 : vector<16xf32>
      %mul3A_1353 = arith.mulf %mul3A_1344, %sub3A_1352 : vector<16xf32>
      %mul3A_1354 = arith.constant 5.000000e-01 : f32
      %mul3A_1355 = vector.broadcast %mul3A_1354 : f32 to vector<16xf32>
      %mul3A_1356 = arith.mulf %mul3A_1355, %sub3A_1255 : vector<16xf32>
      %mul3A_1357 = arith.mulf %mul3A_1356, %mul3A_1353 : vector<16xf32>
      %mul3A_1358 = arith.mulf %mul3A_1357, %mul3A_1353 : vector<16xf32>
      %sub3A_1359 = arith.constant 1.500000e+00 : f32
      %sub3A_1360 = vector.broadcast %sub3A_1359 : f32 to vector<16xf32>
      %sub3A_1361 = arith.subf %sub3A_1360, %mul3A_1358 : vector<16xf32>
      %mul3A_1362 = arith.mulf %mul3A_1353, %sub3A_1361 : vector<16xf32>
      %mul3A_1363 = arith.constant 56.1652832 : f32
      %mul3A_1364 = vector.broadcast %mul3A_1363 : f32 to vector<16xf32>
      %mul3A_1365 = arith.mulf %mul3A_1364, %min3A_1251 : vector<16xf32>
      %mul3A_1366 = arith.mulf %sub3A_1255, %mul3A_1362 : vector<16xf32>
      %mul3A_1367 = arith.constant 30.6832352 : f32
      %mul3A_1368 = vector.broadcast %mul3A_1367 : f32 to vector<16xf32>
      %mul3A_1369 = arith.mulf %mul3A_1368, %mul3A_1366 : vector<16xf32>
      %sub3A_1370 = arith.subf %mul3A_1365, %mul3A_1369 : vector<16xf32>
      %swap3A_1371 = arith.constant 112 : index
      %swap3A_1372 = tpu.vector_load %arg7[%swap3A_1371] {strides = array<i32>} : memref<128xf32, #tpu.memory_space<vmem>>, vector<16xf32>,
      %swap3A_1373 = vector.shape_cast %swap3A_1372 : vector<16xf32> to vector<16xf32>
      %swap3A_1374 = vector.shape_cast %sub3A_1370 : vector<16xf32> to vector<16xf32>
      tpu.vector_store %arg7[%swap3A_1371], %swap3A_1374 {strides = array<i32>} : memref<128xf32, #tpu.memory_space<vmem>>, vector<16xf32>,
      %mul3A_1375 = arith.constant 16 : i32
      %mul3A_1376 = arith.muli %multiple_of3A, %mul3A_1375 : i32
      %multiple_of3A_1377 = tpu.assume_multiple %mul3A_1376, 128 : i32
      %dma_start3A_1378 = tpu.memref_slice %arg4[%multiple_of3A_1377] : memref<16384xf32, #tpu.memory_space<hbm>> -> memref<128xf32, #tpu.memory_space<hbm>>
      %dma_start3A_1379 = tpu.memref_slice %arg4[%multiple_of3A_1377] : memref<16384xf32, #tpu.memory_space<hbm>> -> memref<128xf32, #tpu.memory_space<hbm>>
      tpu.enqueue_dma source(%arg7 : memref<128xf32, #tpu.memory_space<vmem>>) target(%dma_start3A_1379 : memref<128xf32, #tpu.memory_space<hbm>>) target_semaphore(%arg9 : memref<!tpu.dma_semaphore, #tpu.memory_space<semaphore_mem>>)
      %dma_wait3A_1380 = tpu.memref_slice %arg4[%multiple_of3A_1377] : memref<16384xf32, #tpu.memory_space<hbm>> -> memref<128xf32, #tpu.memory_space<hbm>>
      %dma_wait3A_1381 = tpu.memref_slice %arg4[%multiple_of3A_1377] : memref<16384xf32, #tpu.memory_space<hbm>> -> memref<128xf32, #tpu.memory_space<hbm>>
      tpu.wait_dma2 semaphore(%arg9 : memref<!tpu.dma_semaphore, #tpu.memory_space<semaphore_mem>>) src(%arg7 : memref<128xf32, #tpu.memory_space<vmem>>) dst(%dma_wait3A_1381 : memref<128xf32, #tpu.memory_space<hbm>>)
    }
    %scan3A_7 = arith.constant 4 : i32
    return
  }
}

module attributes {stable_mosaic.version = 14 : i64} {
  func.func @_dense_body(%arg0: i32, %arg1: i32, %arg2: memref<1x1x256xi32, #tpu.memory_space<vmem>>, %arg3: memref<1x256x16xf32, #tpu.memory_space<vmem>>, %arg4: memref<256x4096xf32, #tpu.memory_space<vmem>>, %arg5: memref<256x4096xf32, #tpu.memory_space<vmem>>) attributes {dimension_semantics = [#tpu.dimension_semantics<arbitrary>, #tpu.dimension_semantics<arbitrary>], iteration_bounds = array<i64: 4, 25>, scalar_prefetch = 0 : i64, scratch_operands = 0 : i64, tpu.core_type = #tpu.core_type<tc>, window_params = [{transform_indices = @transform_0, window_bounds = array<i64: 1, 1, 256>}, {transform_indices = @transform_1, window_bounds = array<i64: 1, 256, 16>}, {transform_indices = @transform_2, window_bounds = array<i64: 256, 4096>}, {transform_indices = @transform_3, window_bounds = array<i64: 256, 4096>}]} {
    %get3A = arith.constant 0 : index
    %get3A_0 = arith.constant 0 : index
    %get3A_1 = vector.load %arg4[%get3A, %get3A_0] : memref<256x4096xf32, #tpu.memory_space<vmem>>, vector<256x4096xf32>
    %jit3A = arith.constant -0.999998986 : f32
    %jit3A_2 = arith.constant 0.999998986 : f32
    %max3A = vector.broadcast %jit3A : f32 to vector<256x4096xf32>
    %max3A_3 = arith.maximumf %max3A, %get3A_1 : vector<256x4096xf32>
    %min3A = vector.broadcast %jit3A_2 : f32 to vector<256x4096xf32>
    %min3A_4 = arith.minimumf %min3A, %max3A_3 : vector<256x4096xf32>
    %get3A_5 = arith.constant 0 : index
    %get3A_6 = arith.constant 0 : index
    %get3A_7 = arith.constant 0 : index
    %get3A_8 = vector.load %arg2[%get3A_5, %get3A_6, %get3A_7] : memref<1x1x256xi32, #tpu.memory_space<vmem>>, vector<1x1x256xi32>
    %get3A_9 = vector.shape_cast %get3A_8 : vector<1x1x256xi32> to vector<256xi32>
    %get3A_10 = arith.constant 0 : index
    %get3A_11 = arith.constant 0 : index
    %get3A_12 = arith.constant 0 : index
    %get3A_13 = vector.load %arg3[%get3A_10, %get3A_11, %get3A_12] : memref<1x256x16xf32, #tpu.memory_space<vmem>>, vector<1x256x16xf32>
    %get3A_14 = vector.shape_cast %get3A_13 : vector<1x256x16xf32> to vector<256x16xf32>
    %iota3A = tpu.iota {dimensions = array<i32: 1>} : vector<256x16xi32>
    %broadcast_in_dim3A = vector.shape_cast %get3A_9 : vector<256xi32> to vector<256x1xi32>
    %and3A = arith.constant 15 : i32
    %and3A_15 = vector.broadcast %and3A : i32 to vector<256x1xi32>
    %and3A_16 = arith.andi %broadcast_in_dim3A, %and3A_15 : vector<256x1xi32>
    %eq3A = vector.broadcast %and3A_16 : vector<256x1xi32> to vector<256x16xi32>
    %eq3A_17 = arith.cmpi eq, %iota3A, %eq3A : vector<256x16xi32>
    %jit3A_18 = arith.constant 0.000000e+00 : f32
    %broadcast_in_dim3A_19 = vector.broadcast %jit3A_18 : f32 to vector<256x16xf32>
    %select_n3A = arith.select %eq3A_17, %get3A_14, %broadcast_in_dim3A_19 : vector<256x16xi1>, vector<256x16xf32>
    %reduce_sum3A = arith.constant dense<0.000000e+00> : vector<256xf32>
    %reduce_sum3A_20 = vector.multi_reduction <add>, %select_n3A, %reduce_sum3A [1] : vector<256x16xf32> to vector<256xf32>
    %iota3A_21 = tpu.iota {dimensions = array<i32: 1>} : vector<256x4096xi32>
    %mul3A = arith.constant 4096 : i32
    %mul3A_22 = arith.muli %arg1, %mul3A : i32
    %add3A = vector.broadcast %mul3A_22 : i32 to vector<256x4096xi32>
    %add3A_23 = arith.addi %iota3A_21, %add3A : vector<256x4096xi32>
    %broadcast_in_dim3A_24 = vector.shape_cast %get3A_9 : vector<256xi32> to vector<256x1xi32>
    %eq3A_25 = vector.broadcast %broadcast_in_dim3A_24 : vector<256x1xi32> to vector<256x4096xi32>
    %eq3A_26 = arith.cmpi eq, %add3A_23, %eq3A_25 : vector<256x4096xi32>
    %broadcast_in_dim3A_27 = vector.shape_cast %reduce_sum3A_20 : vector<256xf32> to vector<256x1xf32>
    %mul3A_28 = arith.constant 6.400000e+01 : f32
    %mul3A_29 = vector.broadcast %mul3A_28 : f32 to vector<256x4096xf32>
    %mul3A_30 = arith.mulf %min3A_4, %mul3A_29 : vector<256x4096xf32>
    %broadcast_in_dim3A_31 = vector.shape_cast %broadcast_in_dim3A_27 : vector<256x1xf32> to vector<256x1xf32>
    %broadcast_in_dim3A_32 = vector.broadcast %broadcast_in_dim3A_31 : vector<256x1xf32> to vector<256x4096xf32>
    %select_n3A_33 = arith.select %eq3A_26, %broadcast_in_dim3A_32, %mul3A_30 : vector<256x4096xi1>, vector<256x4096xf32>
    %swap3A = arith.constant 0 : index
    %swap3A_34 = arith.constant 0 : index
    %swap3A_35 = vector.load %arg5[%swap3A, %swap3A_34] : memref<256x4096xf32, #tpu.memory_space<vmem>>, vector<256x4096xf32>
    tpu.vector_store %arg5[%swap3A, %swap3A_34], %select_n3A_33 {strides = array<i32>} : memref<256x4096xf32, #tpu.memory_space<vmem>>, vector<256x4096xf32>,
    return
  }
  func.func @transform_0(%arg0: i32, %arg1: i32) -> (i32, i32, i32) {
    %c0_i32 = arith.constant 0 : i32
    %c0_i32_0 = arith.constant 0 : i32
    %c0_i32_1 = arith.constant 0 : i32
    return %arg0, %c0_i32, %c0_i32_0 : i32, i32, i32
  }
  func.func @transform_1(%arg0: i32, %arg1: i32) -> (i32, i32, i32) {
    %c0_i32 = arith.constant 0 : i32
    %c0_i32_0 = arith.constant 0 : i32
    %c0_i32_1 = arith.constant 0 : i32
    return %arg0, %c0_i32, %c0_i32_0 : i32, i32, i32
  }
  func.func @transform_2(%arg0: i32, %arg1: i32) -> (i32, i32) {
    %c0_i32 = arith.constant 0 : i32
    return %arg0, %arg1 : i32, i32
  }
  func.func @transform_3(%arg0: i32, %arg1: i32) -> (i32, i32) {
    %c0_i32 = arith.constant 0 : i32
    return %arg0, %arg1 : i32, i32
  }
}

</mosaic_0001>

<sc_bundles>
// kernel: kernel.4.cloned.1.call-start
scs
__scs_entry_jumppad:
0x0: {  	(pc) =	sbr.rel $0x88, $3  }
0x1: {  	(tag) =	ssettag $0x0;
	lr =	simm.s32 $0x1  }
0x2: {  	[smem:$0x3F9F] =	sst lr;
	_ =	strace $0xD0000000  }
0x3: {  	_ = 	snop  }
0x4: {  	_ = 	snop  }
0x5: {  	_ = 	snop  }
0x6: {  	_ = 	snop  }
0x7: {  	_ = 	snop  }
__scs_overlays_trampoline_lowered:
0x8: {  	[smem:$0x3FAE] =	sst s0  }
0x9: {  	[smem:$0x3FAF] =	sst s1  }
0xa: {  	[smem:$0x3FB0] =	sst s2  }
0xb: {  	[smem:$0x3FB1] =	sst s3  }
0xc: {  	[smem:$0x3FB2] =	sst s4  }
0xd: {  	[smem:$0x3FB3] =	sst s5  }
0xe: {  	[smem:$0x3FB4] =	sst s6  }
0xf: {  	[smem:$0x3FB5] =	sst s7  }
0x10: {  	[smem:$0x3FB6] =	sst s8  }
0x11: {  	[smem:$0x3FB7] =	sst s9;
	s0 =	simm.s32 @!p0 $0x0  }
0x12: {  	s1 =	sld [smem:$0x3F9D];
	s0 =	simm.s32 @p0 $0x1  }
0x13: {  	[smem:$0x3FB8] =	sst s0;
	s0 =	simm.s32 @!p1 $0x0  }
0x14: {  	s2 =	sld [smem:$0x3F9C];
	s0 =	simm.s32 @p1 $0x1  }
0x15: {  	[smem:$0x3FB9] =	sst s0;
	s0 =	simm.s32 @!p2 $0x0  }
0x16: {  	s3 =	sld [smem:$0x3FDB];
	s0 =	simm.s32 @p2 $0x1  }
0x17: {  	s4 =	simm.s32 $0x1BF5;
	[smem:$0x3FBB] =	sst s0  }
0x18: {  	s0 =	sld [smem:$0x3F9E];
	_ =	swait.ge [sflag:s4], $0x0  }
0x19: {  	s7 =	sld [smem:$0x3F9F]  }
0x1a: {  	s8 =	sadd.s32 $0xFFFFE003, lr  }
0x1b: {  	s9 =	sadd.s32 $0xFFFFFEF7, lr;
	s5 =	simm.s32 $0xFFFFFFFF;
	p2 =	slt.u32 s8, $0xFFFFF086  }
0x1c: {  	p1 =	slt.u32 s9, $0xF7A;
	s5 =	simm.s32 @!p2 $0x0  }
0x1d: {  	s5 =	simm.s32 @p1 $0x1;
	p0 =	seq.s32 s7, s2  }
0x1e: {  	s7 =	smul.u32 @!p0 $0xF7A, s2;
	p2 =	seq.s32 @!p0 s5, $0x0  }
0x1f: {  	s9 =	smul.u32 $0xF7A, s1;
	s8 =	simm.s32 @!p0 $0x1BF5;
	p2 =	por !p2, p0  }
0x20: {  	[sflag:s8] =	ssyncset.s32 @!p0 $0xFFFFF086;
	s6 =	sadd.s32 @!p0 s3, s7;
	s7 =	simm.s32 @!p0 $0x108  }
0x21: {  	s3 =	sadd.s32 s3, s9;
	s6 =	sadd.s32 @!p0 $0x88, s6;
	s7 =	simm.s32 @p2 $0x1082  }
0x22: {  	[simem:s7], [sflag:s8] =	dma.local @!p0 [hbm:s6], $0xF7A  }
0x23: {  	s9 =	sor.u32 $0xD0000000, s2;
	s6 =	simm.s32 $0x108;
	_ =	swait.ge @!p0 [sflag:s8], $0x0  }
0x24: {  	s3 =	sadd.s32 $0x88, s3;
	s6 =	simm.s32 @!p1 $0x1082;
	[sflag:s4] =	ssyncset.s32 $0xFFFFF086  }
0x25: {  	[simem:s6], [sflag:s4] =	dma.local [hbm:s3], $0xF7A  }
0x26: {  	[smem:$0x3F9F] =	sst s1;
	(tag) =	ssettag s2;
	_ =	strace s9  }
0x27: {  	s1 =	sld [smem:$0x3FAF]  }
0x28: {  	s2 =	sld [smem:$0x3FB0]  }
0x29: {  	s4 =	sld [smem:$0x3FB2]  }
0x2a: {  	p0 =	seq.s32 s5, $0x0;
	s5 =	sld [smem:$0x3FB3]  }
0x2b: {  	s6 =	sld [smem:$0x3FB4]  }
0x2c: {  	s7 =	sld [smem:$0x3FB5]  }
0x2d: {  	s3 =	simm.s32 $0x108;
	s8 =	sld [smem:$0x3FB6]  }
0x2e: {  	s3 =	simm.s32 @!p0 $0x1082;
	s9 =	sld [smem:$0x3FB7]  }
0x2f: {  	lr =	sadd.s32 s0, s3;
	s0 =	sld [smem:$0x3FAE]  }
0x30: {  	s3 =	sld [smem:$0x3FB1]  }
0x31: {  	[smem:$0x3FBA] =	sst s10  }
0x32: {  	s10 =	sld [smem:$0x3FB8];
	_ =	sdelay $0x3  }
0x33: {  	p0 =	seq.s32 s10, $0x1;
	s10 =	sld [smem:$0x3FBA];
	_ =	sdelay $0x3  }
0x34: {  	[smem:$0x3FBA] =	sst s10  }
0x35: {  	s10 =	sld [smem:$0x3FB9];
	_ =	sdelay $0x3  }
0x36: {  	p1 =	seq.s32 s10, $0x1;
	s10 =	sld [smem:$0x3FBA];
	_ =	sdelay $0x3  }
0x37: {  	[smem:$0x3FBA] =	sst s10  }
0x38: {  	s10 =	sld [smem:$0x3FBB]  }
0x39: {  	_ = 	snop;
	(pc) =	sbr.ind lr, $3  }
0x3a: {  	_ = 	snop  }
0x3b: {  	_ = 	snop  }
0x3c: {  	p2 =	seq.s32 s10, $0x1;
	s10 =	sld [smem:$0x3FBA]  }
0x3d: {  	_ =	shalt  }
0x3e: {  	_ =	shalt  }
0x3f: {  	_ =	shalt  }
0x40: {  	_ =	shalt  }
0x41: {  	_ =	shalt  }
0x42: {  	_ =	shalt  }
0x43: {  	_ =	shalt  }
0x44: {  	_ =	shalt  }
0x45: {  	_ =	shalt  }
0x46: {  	_ =	shalt  }
0x47: {  	_ =	shalt  }
0x48: {  	_ =	shalt  }
0x49: {  	_ =	shalt  }
0x4a: {  	_ =	shalt  }
0x4b: {  	_ =	shalt  }
0x4c: {  	_ =	shalt  }
0x4d: {  	_ =	shalt  }
0x4e: {  	_ =	shalt  }
0x4f: {  	_ =	shalt  }
0x50: {  	_ =	shalt  }
0x51: {  	_ =	shalt  }
0x52: {  	_ =	shalt  }
0x53: {  	_ =	shalt  }
0x54: {  	_ =	shalt  }
0x55: {  	_ =	shalt  }
0x56: {  	_ =	shalt  }
0x57: {  	_ =	shalt  }
0x58: {  	_ =	shalt  }
0x59: {  	_ =	shalt  }
0x5a: {  	_ =	shalt  }
0x5b: {  	_ =	shalt  }
0x5c: {  	_ =	shalt  }
0x5d: {  	_ =	shalt  }
0x5e: {  	_ =	shalt  }
0x5f: {  	_ =	shalt  }
0x60: {  	_ =	shalt  }
0x61: {  	_ =	shalt  }
0x62: {  	_ =	shalt  }
0x63: {  	_ =	shalt  }
0x64: {  	_ =	shalt  }
0x65: {  	_ =	shalt  }
0x66: {  	_ =	shalt  }
0x67: {  	_ =	shalt  }
0x68: {  	_ =	shalt  }
0x69: {  	_ =	shalt  }
0x6a: {  	_ =	shalt  }
0x6b: {  	_ =	shalt  }
0x6c: {  	_ =	shalt  }
0x6d: {  	_ =	shalt  }
0x6e: {  	_ =	shalt  }
0x6f: {  	_ =	shalt  }
0x70: {  	_ =	shalt  }
0x71: {  	_ =	shalt  }
0x72: {  	_ =	shalt  }
0x73: {  	_ =	shalt  }
0x74: {  	_ =	shalt  }
0x75: {  	_ =	shalt  }
0x76: {  	_ =	shalt  }
0x77: {  	_ =	shalt  }
0x78: {  	_ =	shalt  }
0x79: {  	_ =	shalt  }
0x7a: {  	_ =	shalt  }
0x7b: {  	_ =	shalt  }
0x7c: {  	_ =	shalt  }
0x7d: {  	_ =	shalt  }
0x7e: {  	_ =	shalt  }
0x7f: {  	_ =	shalt  }
0x80: {  	_ =	shalt  }
0x81: {  	_ =	shalt  }
0x82: {  	_ =	shalt  }
0x83: {  	_ =	shalt  }
0x84: {  	_ =	shalt  }
0x85: {  	_ =	shalt  }
0x86: {  	_ =	shalt  }
0x87: {  	_ =	shalt  }
.Lfunc_end0:
.L_simem_size_0:
called_computation_lowered:
.L_overlay_start_0:
0x88: {  	s2 =	sld [smem:$0x3FD9]  }
0x89: {  	s3 =	sld [smem:$0x3FFE];
	_ =	sdelay $0x1  }
0x8a: {  	s1 =	srdreg.scid  }
0x8b: {  	s0 =	sand.u32 $0x1, s1  }
0x8c: {  	s17 =	sshll.u32 s0, $0xA;
	s2 =	sadd.s32 s3, s2  }
0x8d: {  	s2 =	sadd.s32 s2, s17  }
0x8e: {  	[smem:$0x3FC6] =	sst s2  }
0x8f: {  	_ = 	snop  }
0x90: {  	s2 =	sld [smem:$0x3FC8]  }
0x91: {  	s18 =	sld [smem:$0x3FD0];
	(tm) =	ssettm $0x1  }
0x92: {  	s4 =	sld [smem:$0x3FFB];
	_ =	sdelay $0x3  }
0x93: {  	_ =	strace s4  }
0x94: {  	s4 =	sld [smem:$0x3FFC];
	_ =	sdelay $0x3  }
0x95: {  	_ =	strace s4  }
0x96: {  	s4 =	sld [smem:$0x3FFD];
	_ =	sdelay $0x3  }
0x97: {  	_ =	strace s4  }
0x98: {  	_ =	strace $0x8FFFFFFF  }
0x99: {  	s19 =	sld [smem:$0x3FDB];
	_ =	sdelay $0x1  }
0x9a: {  	s5 =	simm.s32 $_scs_section_size  }
0x9b: {  	s6 =	simm.s32 $_size__tile_overlayer_lowered;
	s7 =	simm.s32 $_tile_overlayer_lowered  }
0x9c: {  	s22 =	simm.s32 $0x1BFF;
	s21 =	sshll.u32 s7, $0x1;
	s4 =	sadd.s32 s5, s19  }
0x9d: {  	s8 =	simm.s32 $0x0;
	s20 =	sshll.u32 s6, $0x1;
	s6 =	sadd.s32 s21, s4  }
0x9e: {  	[timem:s8], [sflag:s22] =	dma.local [hbm:s6], s20  }
0x9f: {  	_ =	swait.ge [sflag:s22], s20  }
0xa0: {  	s5 =	ssub.s32 $0x0, s20;
	[sflag:s22] =	ssyncset.done $0x0  }
0xa1: {  	[sflag:s22] =	ssyncadd.s32 s5;
	_ =	sdelay $0x1  }
0xa2: {  	s23 =	simm.s32 $0x1B8B  }
0xa3: {  	_ =	swait.ge [sflag:s23], $0x1  }
0xa4: {  	[sflag:s23] =	ssyncset.done $0x0  }
0xa5: {  	s25 =	simm.s32 $0x1B8E;
	s24 =	sld [smem:$0x3FFE];
	[sflag:s23] =	ssyncadd.s32 $0xFFFFFFFF  }
0xa6: {  	s26 =	simm.s32 $execute0_lowered;
	[smem:$0x3FD2] =	sst s25  }
0xa7: {  	s6 =	sshll.u32 s26, $0x1;
	_ =	strace $0x80000046;
	[dreg:$0x1] =	wrdreg $0xFFFFFFFF  }
0xa8: {  	s28 =	simm.s32 $_size_execute0_lowered;
	s4 =	sadd.s32 s4, s6;
	[dreg:$0x0] =	wrdreg $0x0  }
0xa9: {  	s6 =	sshll.u32 s28, $0x1;
	[dreg:$0x2] =	wrdreg s4  }
0xaa: {  	[dreg:$0x3] =	wrdreg s6  }
0xab: {  	[dreg:$0x4] =	wrdreg $0xC0  }
0xac: {  	_ =	task [dreg:s8], $0x5FFFF  }
0xad: {  	[dreg:$0x1] =	wrdreg $0xFFFFFFFF  }
0xae: {  	[dreg:$0x0] =	wrdreg $0x60  }
0xaf: {  	[dreg:$0x2] =	wrdreg s24  }
0xb0: {  	[dreg:$0x3] =	wrdreg s2  }
0xb1: {  	[dreg:$0x4] =	wrdreg s18  }
0xb2: {  	[dreg:$0x5] =	wrdreg $0x9  }
0xb3: {  	_ =	task.clear_ibuf [dreg:s8], $0x6FFFF;
	_ =	strace $0x90000046  }
0xb4: {  	s29 =	simm.s32 $0x9;
	_ =	strace $0x80000048  }
0xb5: {  	_ =	swait.ge [sflag:s29], $0x1  }
0xb6: {  	[sflag:s29] =	ssyncadd.s32 $0xFFFFFFFF  }
0xb7: {  	_ =	strace $0x90000048  }
0xb8: {  	_ =	sfence  }
0xb9: {  	s30 =	sld [smem:$0x0];
	_ =	sdelay $0x2  }
0xba: {  	s31 =	sshll.u32 s1, $0xD;
	s1 =	sshrl.u32 s1, $0x2  }
0xbb: {  	s3 =	sand.u32 $0x4000, s31;
	s1 =	sadd.s32 s1, s30  }
0xbc: {  	s0 =	sor.u32 s3, s0;
	s1 =	sshll.u32 s1, $0x11  }
0xbd: {  	s0 =	sor.u32 s1, s0  }
0xbe: {  	s0 =	sadd.s32 $0x8F2B, s0  }
0xbf: {  	[sflag:s0] =	ssyncadd.remote.s32 $0x1  }
0xc0: {  	_ =	sfence.sel $0xFFFF  }
0xc1: {  	[dreg:$0x0] =	wrdreg $0xFFFFFFFF;
	(pc) =	sbr.abs _section_cstart, $3  }
0xc2: {  	[dreg:$0x1] =	wrdreg $0xFFFFFFFF  }
0xc3: {  	_ =	task.clear_ibuf [dreg:s8], $0x2FFFF;
	_ =	strace $0x9FFFFFFF  }
0xc4: {  	(tm) =	ssettm $0x7FFFFFFF  }
0xc5: {  	_ =	shalt  }
tec
execute0_lowered:
.L_overlay_start_1:
0x0: {  	(tag) =	ssettag $0x1  }
0x1: {  	s4 =	rddreg [dreg:$0x0]  }
0x2: {  	s2 =	rddreg [dreg:$0x1];
	s0 =	srdreg.scid  }
0x3: {  	s6 =	rddreg [dreg:$0x2];
	s1 =	stileid.u32;
	s3 =	simm.s32 $0x0  }
0x4: {  	s21 =	simm.s32 $0x480;
	s7 =	sand.u32 $0x1, s0;
	s0 =	rddreg [dreg:$0x3]  }
0x5: {  	s23 =	simm.s32 $0x880;
	s24 =	simm.s32 $0xC80;
	[smem:$0x7FF] =	sst s3  }
0x6: {  	s25 =	simm.s32 $0x1080;
	_ =	strace $0x80000047;
	[dreg:$0x5] =	wrdreg s21  }
0x7: {  	s28 =	simm.s32 $0x1480;
	s29 =	simm.s32 $0x1880;
	[dreg:$0x6] =	wrdreg s23  }
0x8: {  	s30 =	simm.s32 $0x1C80;
	s31 =	simm.s32 $0x2080;
	[dreg:$0x7] =	wrdreg s24  }
0x9: {  	s10 =	simm.s32 $0x2480;
	s11 =	simm.s32 $0x0;
	[dreg:$0x8] =	wrdreg s25  }
0xa: {  	s8 =	sshll.u32 s1, $0x5;
	s4 =	sadd.s32 $0x600, s4;
	[dreg:$0x9] =	wrdreg s28  }
0xb: {  	s22 =	sshll.u32 s1, $0x6;
	s26 =	sshll.u32 s1, $0x7;
	[dreg:$0xa] =	wrdreg s29  }
0xc: {  	s5 =	sshll.u32 s7, $0x9;
	s9 =	ssub.s32 $0x2, s7;
	[dreg:$0xb] =	wrdreg s30  }
0xd: {  	s20 =	sshll.u32 s7, $0xA;
	s7 =	sshll.u32 s7, $0xB;
	[dreg:$0xc] =	wrdreg s31  }
0xe: {  	[dreg:$0xd] =	wrdreg s10;
	s10 =	simm.s32 $0x2;
	s5 =	sor.u32 s8, s5  }
0xf: {  	s18 =	sshrl.u32 s9, $0x1;
	s6 =	sadd.s32 s20, s6;
	s5 =	sshrl.u32 s5, $0x3  }
0x10: {  	s7 =	sor.u32 s26, s7;
	s8 =	ssub.s32 s9, s18;
	s19 =	smul.u32 $0xC3800, s5  }
0x11: {  	s6 =	sadd.s32 s22, s6;
	s7 =	sshrl.u32 s7, $0x2;
	s9 =	simm.s32 $0x1  }
0x12: {  	v0 =	vimm.f32 $1.414213540e+00;
	s5 =	smax.u32 s8, $0x1;
	s8 =	simm.s32 $0x3;
	[dreg:$0x4] =	wrdreg s19  }
.LBB2_1:
0x13: {  	[tilespmem:s3], [sflag:$0x3] =	stream.linear.gather [hbm4b:s2+s3], $0x400, $0x38;
	[tilespmem:$0x2500] =	vst v63  }
0x14: {  	_ =	swait.ge [sflag:s8], $0x400  }
0x15: {  	s12 =	smov.u32 s7;
	[sflag:s8] =	ssyncset.done $0x0  }
0x16: {  	s13 =	smov.u32 s6;
	s14 =	simm.s32 $0x0;
	[sflag:s8] =	ssyncadd.s32 $0xFFFFFC00  }
.LBB2_2:
0x17: {  	v1 =	vld [tilespmem:s12+$0x0];
	_ =	sdelay $0x4  }
0x18: {  	(v2sf) =	vpush v1, $0x0;
	_ =	sdelay $0x3  }
0x19: {  	(v2sf) =	vpush v1, $0x1;
	_ =	sdelay $0x4  }
0x1a: {  	(v2sf) =	vpush v1, $0x2;
	_ =	sdelay $0x5  }
0x1b: {  	s22 =	spop (v2sf)  }
0x1c: {  	s15 =	rddreg [dreg:$0x4];
	s16 =	sshll.u32 s22, $0x3  }
0x1d: {  	s23 =	sadd.s32 s14, s15;
	(v2sf) =	vpush v1, $0x3;
	s16 =	sand.u32 $0x7FFFFC00, s16  }
0x1e: {  	s15 =	sadd.s32 s16, s23  }
0x1f: {  	s21 =	spop (v2sf);
	s15 =	sshrl.u32 s15, $0x3  }
0x20: {  	s31 =	rddreg [dreg:$0x5];
	(v2sf) =	vpush v1, $0x4;
	s17 =	sshll.u32 s21, $0x3;
	s15 =	sadd.s32 s4, s15  }
0x21: {  	[tilespmem:s31], [sflag:$0x1] =	stream.linear.gather [hbm4b:s15+s3], $0x400, $0x38;
	[tilespmem:$0x2500] =	vst v63  }
0x22: {  	s15 =	sand.u32 $0x7FFFFC00, s17  }
0x23: {  	s15 =	sadd.s32 s15, s23  }
0x24: {  	s20 =	spop (v2sf);
	s15 =	sshrl.u32 s15, $0x3  }
0x25: {  	s18 =	rddreg [dreg:$0x6];
	s19 =	sshll.u32 s20, $0x3;
	s15 =	sadd.s32 s4, s15  }
0x26: {  	(v2sf) =	vpush v1, $0x5;
	[tilespmem:s18], [sflag:$0x1] =	stream.linear.gather [hbm4b:s15+s3], $0x400, $0x38;
	[tilespmem:$0x2500] =	vst v63  }
0x27: {  	s15 =	sand.u32 $0x7FFFFC00, s19  }
0x28: {  	s15 =	sadd.s32 s15, s23  }
0x29: {  	s15 =	sshrl.u32 s15, $0x3  }
0x2a: {  	s24 =	rddreg [dreg:$0x7];
	s15 =	sadd.s32 s4, s15  }
0x2b: {  	[tilespmem:s24], [sflag:$0x1] =	stream.linear.gather [hbm4b:s15+s3], $0x400, $0x38;
	[tilespmem:$0x2500] =	vst v63  }
0x2c: {  	s19 =	spop (v2sf)  }
0x2d: {  	s25 =	sshll.u32 s19, $0x3  }
0x2e: {  	(v2sf) =	vpush v1, $0x6;
	s15 =	sand.u32 $0x7FFFFC00, s25  }
0x2f: {  	s18 =	spop (v2sf);
	(v2sf) =	vpush v1, $0x7;
	s15 =	sadd.s32 s15, s23  }
0x30: {  	s15 =	sshrl.u32 s15, $0x3  }
0x31: {  	s26 =	rddreg [dreg:$0x8];
	s28 =	sshll.u32 s18, $0x3;
	s15 =	sadd.s32 s4, s15  }
0x32: {  	[tilespmem:s26], [sflag:$0x1] =	stream.linear.gather [hbm4b:s15+s3], $0x400, $0x38;
	[tilespmem:$0x2500] =	vst v63  }
0x33: {  	s15 =	sand.u32 $0x7FFFFC00, s28  }
0x34: {  	s15 =	sadd.s32 s15, s23  }
0x35: {  	s17 =	spop (v2sf);
	s15 =	sshrl.u32 s15, $0x3  }
0x36: {  	s29 =	rddreg [dreg:$0x9];
	s30 =	sshll.u32 s17, $0x3;
	s15 =	sadd.s32 s4, s15  }
0x37: {  	[tilespmem:s29], [sflag:$0x1] =	stream.linear.gather [hbm4b:s15+s3], $0x400, $0x38;
	[tilespmem:$0x2500] =	vst v63  }
0x38: {  	s15 =	sand.u32 $0x7FFFFC00, s30  }
0x39: {  	s15 =	sadd.s32 s15, s23  }
0x3a: {  	s15 =	sshrl.u32 s15, $0x3  }
0x3b: {  	s24 =	rddreg [dreg:$0xa];
	s15 =	sadd.s32 s4, s15  }
0x3c: {  	[tilespmem:s24], [sflag:$0x1] =	stream.linear.gather [hbm4b:s15+s3], $0x400, $0x38;
	[tilespmem:$0x2500] =	vst v63  }
0x3d: {  	s31 =	spop (v2sf)  }
0x3e: {  	s25 =	sshll.u32 s31, $0x3;
	s28 =	spop (v2sf)  }
0x3f: {  	s15 =	sand.u32 $0x7FFFFC00, s25;
	s29 =	sshll.u32 s28, $0x3  }
0x40: {  	s15 =	sadd.s32 s15, s23;
	s24 =	sand.u32 $0x7FFFFC00, s29  }
0x41: {  	s25 =	sshrl.u32 s15, $0x3;
	s23 =	sadd.s32 s24, s23  }
0x42: {  	s26 =	rddreg [dreg:$0xb];
	s25 =	sadd.s32 s4, s25;
	s23 =	sshrl.u32 s23, $0x3  }
0x43: {  	[tilespmem:s26], [sflag:$0x1] =	stream.linear.gather [hbm4b:s25+s3], $0x400, $0x38;
	[tilespmem:$0x2500] =	vst v63  }
0x44: {  	s30 =	rddreg [dreg:$0xc];
	s23 =	sadd.s32 s4, s23  }
0x45: {  	[tilespmem:s30], [sflag:$0x1] =	stream.linear.gather [hbm4b:s23+s3], $0x400, $0x38;
	[tilespmem:$0x2500] =	vst v63  }
0x46: {  	_ =	swait.ge [sflag:s9], $0x400  }
0x47: {  	[sflag:s9] =	ssyncset.done $0x0  }
0x48: {  	[sflag:s9] =	ssyncadd.s32 $0xFFFFFC00  }
0x49: {  	_ =	swait.ge [sflag:s9], $0x400  }
0x4a: {  	[sflag:s9] =	ssyncset.done $0x0  }
0x4b: {  	[sflag:s9] =	ssyncadd.s32 $0xFFFFFC00  }
0x4c: {  	_ =	swait.ge [sflag:s9], $0x400  }
0x4d: {  	[sflag:s9] =	ssyncset.done $0x0  }
0x4e: {  	[sflag:s9] =	ssyncadd.s32 $0xFFFFFC00  }
0x4f: {  	_ =	swait.ge [sflag:s9], $0x400  }
0x50: {  	[sflag:s9] =	ssyncset.done $0x0  }
0x51: {  	[sflag:s9] =	ssyncadd.s32 $0xFFFFFC00  }
0x52: {  	_ =	swait.ge [sflag:s9], $0x400  }
0x53: {  	[sflag:s9] =	ssyncset.done $0x0  }
0x54: {  	[sflag:s9] =	ssyncadd.s32 $0xFFFFFC00  }
0x55: {  	_ =	swait.ge [sflag:s9], $0x400  }
0x56: {  	[sflag:s9] =	ssyncset.done $0x0  }
0x57: {  	[sflag:s9] =	ssyncadd.s32 $0xFFFFFC00  }
0x58: {  	_ =	swait.ge [sflag:s9], $0x400  }
0x59: {  	[sflag:s9] =	ssyncset.done $0x0  }
0x5a: {  	[sflag:s9] =	ssyncadd.s32 $0xFFFFFC00  }
0x5b: {  	_ =	swait.ge [sflag:s9], $0x400  }
0x5c: {  	[sflag:s9] =	ssyncset.done $0x0  }
0x5d: {  	s22 =	sand.u32 $0x70, s22;
	[sflag:s9] =	ssyncadd.s32 $0xFFFFFC00  }
0x5e: {  	v1 =	vld [tilespmem:s22+$0x480];
	_ =	sdelay $0x4  }
0x5f: {  	v1 =	vmax.f32 v1, $-9.999989860e-01  }
0x60: {  	v1 =	vmin.f32 v1, $9.999989860e-01  }
0x61: {  	v2 =	vmul.f32 v1, v1;
	_ =	sdelay $0x1  }
0x62: {  	v2 =	vsub.f32 $1.000000000e+00, v2;
	_ =	sdelay $0x1  }
0x63: {  	vm0 =	vlt.f32 v2, $2.500000000e-01  }
0x64: {  	vm9 =	vlt.f32 v2, $6.250000000e-02;
	v3 =	vsel vm0, $0x403504F3, v0  }
0x65: {  	vm10 =	vlt.f32 v2, $1.562500000e-02;
	v3 =	vsel vm9, $0x40B504F3, v3  }
0x66: {  	vm11 =	vlt.f32 v2, $3.906250000e-03;
	v3 =	vsel vm10, $0x413504F3, v3  }
0x67: {  	vm12 =	vlt.f32 v2, $9.765625000e-04;
	v3 =	vsel vm11, $0x41B504F3, v3  }
0x68: {  	vm13 =	vlt.f32 v2, $2.441406250e-04;
	v3 =	vsel vm12, $0x423504F3, v3  }
0x69: {  	vm14 =	vlt.f32 v2, $6.103515630e-05;
	v3 =	vsel vm13, $0x42B504F3, v3  }
0x6a: {  	vm15 =	vlt.f32 v2, $1.525878910e-05;
	v3 =	vsel vm14, $0x433504F3, v3  }
0x6b: {  	vm4 =	vlt.f32 v2, $3.814697270e-06;
	v3 =	vsel vm15, $0x43B504F3, v3  }
0x6c: {  	vm5 =	vlt.f32 v2, $9.536743160e-07;
	v4 =	vmul.f32 $5.000000000e-01, v2;
	v3 =	vsel vm4, $0x443504F3, v3  }
0x6d: {  	v3 =	vsel vm5, $0x44B504F3, v3  }
0x6e: {  	v5 =	vmul.f32 v3, v4;
	_ =	sdelay $0x1  }
0x6f: {  	v5 =	vmul.f32 v5, v3;
	_ =	sdelay $0x1  }
0x70: {  	v5 =	vsub.f32 $1.500000000e+00, v5;
	_ =	sdelay $0x1  }
0x71: {  	v3 =	vmul.f32 v5, v3;
	_ =	sdelay $0x1  }
0x72: {  	v5 =	vmul.f32 v3, v4;
	_ =	sdelay $0x1  }
0x73: {  	v5 =	vmul.f32 v5, v3;
	_ =	sdelay $0x1  }
0x74: {  	v5 =	vsub.f32 $1.500000000e+00, v5;
	_ =	sdelay $0x1  }
0x75: {  	v3 =	vmul.f32 v5, v3;
	_ =	sdelay $0x1  }
0x76: {  	v5 =	vmul.f32 v3, v4;
	_ =	sdelay $0x1  }
0x77: {  	v5 =	vmul.f32 v5, v3;
	_ =	sdelay $0x1  }
0x78: {  	v5 =	vsub.f32 $1.500000000e+00, v5;
	_ =	sdelay $0x1  }
0x79: {  	v3 =	vmul.f32 v5, v3;
	_ =	sdelay $0x1  }
0x7a: {  	v5 =	vmul.f32 v3, v4;
	_ =	sdelay $0x1  }
0x7b: {  	v5 =	vmul.f32 v5, v3;
	_ =	sdelay $0x1  }
0x7c: {  	v5 =	vsub.f32 $1.500000000e+00, v5;
	_ =	sdelay $0x1  }
0x7d: {  	v3 =	vmul.f32 v5, v3;
	_ =	sdelay $0x1  }
0x7e: {  	v4 =	vmul.f32 v3, v4;
	_ =	sdelay $0x1  }
0x7f: {  	v4 =	vmul.f32 v4, v3;
	_ =	sdelay $0x1  }
0x80: {  	v4 =	vsub.f32 $1.500000000e+00, v4;
	_ =	sdelay $0x1  }
0x81: {  	v3 =	vmul.f32 v4, v3;
	_ =	sdelay $0x1  }
0x82: {  	v2 =	vmul.f32 v3, v2;
	_ =	sdelay $0x1  }
0x83: {  	v1 =	vmul.f32 $5.616528320e+01, v1;
	v2 =	vmul.f32 $3.068323520e+01, v2;
	_ =	sdelay $0x1  }
0x84: {  	v1 =	vsub.f32 v1, v2;
	_ =	sdelay $0x1  }
0x85: {  	s21 =	sand.u32 $0x70, s21;
	[tilespmem:$0x2480] =	vst v1  }
0x86: {  	v1 =	vld [tilespmem:s21+$0x900];
	_ =	sdelay $0x4  }
0x87: {  	v1 =	vmax.f32 v1, $-9.999989860e-01  }
0x88: {  	v1 =	vmin.f32 v1, $9.999989860e-01  }
0x89: {  	v2 =	vmul.f32 v1, v1;
	_ =	sdelay $0x1  }
0x8a: {  	v2 =	vsub.f32 $1.000000000e+00, v2;
	_ =	sdelay $0x1  }
0x8b: {  	vm6 =	vlt.f32 v2, $2.500000000e-01  }
0x8c: {  	vm7 =	vlt.f32 v2, $6.250000000e-02;
	v3 =	vsel vm6, $0x403504F3, v0  }
0x8d: {  	vm8 =	vlt.f32 v2, $1.562500000e-02;
	v3 =	vsel vm7, $0x40B504F3, v3  }
0x8e: {  	vm9 =	vlt.f32 v2, $3.906250000e-03;
	v3 =	vsel vm8, $0x413504F3, v3  }
0x8f: {  	vm10 =	vlt.f32 v2, $9.765625000e-04;
	v3 =	vsel vm9, $0x41B504F3, v3  }
0x90: {  	vm11 =	vlt.f32 v2, $2.441406250e-04;
	v3 =	vsel vm10, $0x423504F3, v3  }
0x91: {  	vm12 =	vlt.f32 v2, $6.103515630e-05;
	v3 =	vsel vm11, $0x42B504F3, v3  }
0x92: {  	vm13 =	vlt.f32 v2, $1.525878910e-05;
	v3 =	vsel vm12, $0x433504F3, v3  }
0x93: {  	vm14 =	vlt.f32 v2, $3.814697270e-06;
	v3 =	vsel vm13, $0x43B504F3, v3  }
0x94: {  	vm15 =	vlt.f32 v2, $9.536743160e-07;
	v50 =	vmul.f32 $5.000000000e-01, v2;
	v3 =	vsel vm14, $0x443504F3, v3  }
0x95: {  	v3 =	vsel vm15, $0x44B504F3, v3  }
0x96: {  	v51 =	vmul.f32 v3, v50;
	_ =	sdelay $0x1  }
0x97: {  	v5 =	vmul.f32 v51, v3;
	_ =	sdelay $0x1  }
0x98: {  	v5 =	vsub.f32 $1.500000000e+00, v5;
	_ =	sdelay $0x1  }
0x99: {  	v3 =	vmul.f32 v5, v3;
	_ =	sdelay $0x1  }
0x9a: {  	v5 =	vmul.f32 v3, v50;
	_ =	sdelay $0x1  }
0x9b: {  	v5 =	vmul.f32 v5, v3;
	_ =	sdelay $0x1  }
0x9c: {  	v5 =	vsub.f32 $1.500000000e+00, v5;
	_ =	sdelay $0x1  }
0x9d: {  	v3 =	vmul.f32 v5, v3;
	_ =	sdelay $0x1  }
0x9e: {  	v5 =	vmul.f32 v3, v50;
	_ =	sdelay $0x1  }
0x9f: {  	v5 =	vmul.f32 v5, v3;
	_ =	sdelay $0x1  }
0xa0: {  	v5 =	vsub.f32 $1.500000000e+00, v5;
	_ =	sdelay $0x1  }
0xa1: {  	v3 =	vmul.f32 v5, v3;
	_ =	sdelay $0x1  }
0xa2: {  	v5 =	vmul.f32 v3, v50;
	_ =	sdelay $0x1  }
0xa3: {  	v5 =	vmul.f32 v5, v3;
	_ =	sdelay $0x1  }
0xa4: {  	v5 =	vsub.f32 $1.500000000e+00, v5;
	_ =	sdelay $0x1  }
0xa5: {  	v3 =	vmul.f32 v5, v3;
	_ =	sdelay $0x1  }
0xa6: {  	v4 =	vmul.f32 v3, v50;
	_ =	sdelay $0x1  }
0xa7: {  	v4 =	vmul.f32 v4, v3;
	_ =	sdelay $0x1  }
0xa8: {  	v4 =	vsub.f32 $1.500000000e+00, v4;
	_ =	sdelay $0x1  }
0xa9: {  	v3 =	vmul.f32 v4, v3;
	_ =	sdelay $0x1  }
0xaa: {  	v2 =	vmul.f32 v3, v2;
	_ =	sdelay $0x1  }
0xab: {  	v1 =	vmul.f32 $5.616528320e+01, v1;
	v2 =	vmul.f32 $3.068323520e+01, v2;
	_ =	sdelay $0x1  }
0xac: {  	v1 =	vsub.f32 v1, v2;
	_ =	sdelay $0x1  }
0xad: {  	s20 =	sand.u32 $0x70, s20;
	[tilespmem:$0x2490] =	vst v1  }
0xae: {  	v1 =	vld [tilespmem:s20+$0xD80];
	_ =	sdelay $0x4  }
0xaf: {  	v1 =	vmax.f32 v1, $-9.999989860e-01  }
0xb0: {  	v1 =	vmin.f32 v1, $9.999989860e-01  }
0xb1: {  	v2 =	vmul.f32 v1, v1;
	_ =	sdelay $0x1  }
0xb2: {  	v2 =	vsub.f32 $1.000000000e+00, v2;
	_ =	sdelay $0x1  }
0xb3: {  	vm4 =	vlt.f32 v2, $2.500000000e-01  }
0xb4: {  	vm5 =	vlt.f32 v2, $6.250000000e-02;
	v3 =	vsel vm4, $0x403504F3, v0  }
0xb5: {  	vm6 =	vlt.f32 v2, $1.562500000e-02;
	v3 =	vsel vm5, $0x40B504F3, v3  }
0xb6: {  	vm7 =	vlt.f32 v2, $3.906250000e-03;
	v3 =	vsel vm6, $0x413504F3, v3  }
0xb7: {  	vm8 =	vlt.f32 v2, $9.765625000e-04;
	v3 =	vsel vm7, $0x41B504F3, v3  }
0xb8: {  	vm9 =	vlt.f32 v2, $2.441406250e-04;
	v3 =	vsel vm8, $0x423504F3, v3  }
0xb9: {  	vm10 =	vlt.f32 v2, $6.103515630e-05;
	v3 =	vsel vm9, $0x42B504F3, v3  }
0xba: {  	vm11 =	vlt.f32 v2, $1.525878910e-05;
	v3 =	vsel vm10, $0x433504F3, v3  }
0xbb: {  	vm12 =	vlt.f32 v2, $3.814697270e-06;
	v3 =	vsel vm11, $0x43B504F3, v3  }
0xbc: {  	vm13 =	vlt.f32 v2, $9.536743160e-07;
	v52 =	vmul.f32 $5.000000000e-01, v2;
	v3 =	vsel vm12, $0x443504F3, v3  }
0xbd: {  	v3 =	vsel vm13, $0x44B504F3, v3  }
0xbe: {  	v53 =	vmul.f32 v3, v52;
	_ =	sdelay $0x1  }
0xbf: {  	v5 =	vmul.f32 v53, v3;
	_ =	sdelay $0x1  }
0xc0: {  	v5 =	vsub.f32 $1.500000000e+00, v5;
	_ =	sdelay $0x1  }
0xc1: {  	v3 =	vmul.f32 v5, v3;
	_ =	sdelay $0x1  }
0xc2: {  	v5 =	vmul.f32 v3, v52;
	_ =	sdelay $0x1  }
0xc3: {  	v5 =	vmul.f32 v5, v3;
	_ =	sdelay $0x1  }
0xc4: {  	v5 =	vsub.f32 $1.500000000e+00, v5;
	_ =	sdelay $0x1  }
0xc5: {  	v3 =	vmul.f32 v5, v3;
	_ =	sdelay $0x1  }
0xc6: {  	v5 =	vmul.f32 v3, v52;
	_ =	sdelay $0x1  }
0xc7: {  	v5 =	vmul.f32 v5, v3;
	_ =	sdelay $0x1  }
0xc8: {  	v5 =	vsub.f32 $1.500000000e+00, v5;
	_ =	sdelay $0x1  }
0xc9: {  	v3 =	vmul.f32 v5, v3;
	_ =	sdelay $0x1  }
0xca: {  	v5 =	vmul.f32 v3, v52;
	_ =	sdelay $0x1  }
0xcb: {  	v5 =	vmul.f32 v5, v3;
	_ =	sdelay $0x1  }
0xcc: {  	v5 =	vsub.f32 $1.500000000e+00, v5;
	_ =	sdelay $0x1  }
0xcd: {  	v3 =	vmul.f32 v5, v3;
	_ =	sdelay $0x1  }
0xce: {  	v4 =	vmul.f32 v3, v52;
	_ =	sdelay $0x1  }
0xcf: {  	v4 =	vmul.f32 v4, v3;
	_ =	sdelay $0x1  }
0xd0: {  	v4 =	vsub.f32 $1.500000000e+00, v4;
	_ =	sdelay $0x1  }
0xd1: {  	v3 =	vmul.f32 v4, v3;
	_ =	sdelay $0x1  }
0xd2: {  	v2 =	vmul.f32 v3, v2;
	_ =	sdelay $0x1  }
0xd3: {  	v1 =	vmul.f32 $5.616528320e+01, v1;
	v2 =	vmul.f32 $3.068323520e+01, v2;
	_ =	sdelay $0x1  }
0xd4: {  	v1 =	vsub.f32 v1, v2;
	_ =	sdelay $0x1  }
0xd5: {  	s19 =	sand.u32 $0x70, s19;
	[tilespmem:$0x24A0] =	vst v1  }
0xd6: {  	v1 =	vld [tilespmem:s19+$0x1200];
	_ =	sdelay $0x4  }
0xd7: {  	v1 =	vmax.f32 v1, $-9.999989860e-01  }
0xd8: {  	v1 =	vmin.f32 v1, $9.999989860e-01  }
0xd9: {  	v2 =	vmul.f32 v1, v1;
	_ =	sdelay $0x1  }
0xda: {  	v2 =	vsub.f32 $1.000000000e+00, v2;
	_ =	sdelay $0x1  }
0xdb: {  	vm14 =	vlt.f32 v2, $2.500000000e-01  }
0xdc: {  	vm15 =	vlt.f32 v2, $6.250000000e-02;
	v3 =	vsel vm14, $0x403504F3, v0  }
0xdd: {  	vm4 =	vlt.f32 v2, $1.562500000e-02;
	v3 =	vsel vm15, $0x40B504F3, v3  }
0xde: {  	vm5 =	vlt.f32 v2, $3.906250000e-03;
	v3 =	vsel vm4, $0x413504F3, v3  }
0xdf: {  	vm6 =	vlt.f32 v2, $9.765625000e-04;
	v3 =	vsel vm5, $0x41B504F3, v3  }
0xe0: {  	vm7 =	vlt.f32 v2, $2.441406250e-04;
	v3 =	vsel vm6, $0x423504F3, v3  }
0xe1: {  	vm8 =	vlt.f32 v2, $6.103515630e-05;
	v3 =	vsel vm7, $0x42B504F3, v3  }
0xe2: {  	vm9 =	vlt.f32 v2, $1.525878910e-05;
	v3 =	vsel vm8, $0x433504F3, v3  }
0xe3: {  	vm10 =	vlt.f32 v2, $3.814697270e-06;
	v3 =	vsel vm9, $0x43B504F3, v3  }
0xe4: {  	vm11 =	vlt.f32 v2, $9.536743160e-07;
	v54 =	vmul.f32 $5.000000000e-01, v2;
	v3 =	vsel vm10, $0x443504F3, v3  }
0xe5: {  	v3 =	vsel vm11, $0x44B504F3, v3  }
0xe6: {  	v55 =	vmul.f32 v3, v54;
	_ =	sdelay $0x1  }
0xe7: {  	v5 =	vmul.f32 v55, v3;
	_ =	sdelay $0x1  }
0xe8: {  	v5 =	vsub.f32 $1.500000000e+00, v5;
	_ =	sdelay $0x1  }
0xe9: {  	v3 =	vmul.f32 v5, v3;
	_ =	sdelay $0x1  }
0xea: {  	v5 =	vmul.f32 v3, v54;
	_ =	sdelay $0x1  }
0xeb: {  	v5 =	vmul.f32 v5, v3;
	_ =	sdelay $0x1  }
0xec: {  	v5 =	vsub.f32 $1.500000000e+00, v5;
	_ =	sdelay $0x1  }
0xed: {  	v3 =	vmul.f32 v5, v3;
	_ =	sdelay $0x1  }
0xee: {  	v5 =	vmul.f32 v3, v54;
	_ =	sdelay $0x1  }
0xef: {  	v5 =	vmul.f32 v5, v3;
	_ =	sdelay $0x1  }
0xf0: {  	v5 =	vsub.f32 $1.500000000e+00, v5;
	_ =	sdelay $0x1  }
0xf1: {  	v3 =	vmul.f32 v5, v3;
	_ =	sdelay $0x1  }
0xf2: {  	v5 =	vmul.f32 v3, v54;
	_ =	sdelay $0x1  }
0xf3: {  	v5 =	vmul.f32 v5, v3;
	_ =	sdelay $0x1  }
0xf4: {  	v5 =	vsub.f32 $1.500000000e+00, v5;
	_ =	sdelay $0x1  }
0xf5: {  	v3 =	vmul.f32 v5, v3;
	_ =	sdelay $0x1  }
0xf6: {  	v4 =	vmul.f32 v3, v54;
	_ =	sdelay $0x1  }
0xf7: {  	v4 =	vmul.f32 v4, v3;
	_ =	sdelay $0x1  }
0xf8: {  	v4 =	vsub.f32 $1.500000000e+00, v4;
	_ =	sdelay $0x1  }
0xf9: {  	v3 =	vmul.f32 v4, v3;
	_ =	sdelay $0x1  }
0xfa: {  	v2 =	vmul.f32 v3, v2;
	_ =	sdelay $0x1  }
0xfb: {  	v1 =	vmul.f32 $5.616528320e+01, v1;
	v2 =	vmul.f32 $3.068323520e+01, v2;
	_ =	sdelay $0x1  }
0xfc: {  	v1 =	vsub.f32 v1, v2;
	_ =	sdelay $0x1  }
0xfd: {  	s18 =	sand.u32 $0x70, s18;
	[tilespmem:$0x24B0] =	vst v1  }
0xfe: {  	v1 =	vld [tilespmem:s18+$0x1680];
	_ =	sdelay $0x4  }
0xff: {  	v1 =	vmax.f32 v1, $-9.999989860e-01  }
0x100: {  	v1 =	vmin.f32 v1, $9.999989860e-01  }
0x101: {  	v2 =	vmul.f32 v1, v1;
	_ =	sdelay $0x1  }
0x102: {  	v2 =	vsub.f32 $1.000000000e+00, v2;
	_ =	sdelay $0x1  }
0x103: {  	vm12 =	vlt.f32 v2, $2.500000000e-01  }
0x104: {  	vm13 =	vlt.f32 v2, $6.250000000e-02;
	v3 =	vsel vm12, $0x403504F3, v0  }
0x105: {  	vm14 =	vlt.f32 v2, $1.562500000e-02;
	v3 =	vsel vm13, $0x40B504F3, v3  }
0x106: {  	vm15 =	vlt.f32 v2, $3.906250000e-03;
	v3 =	vsel vm14, $0x413504F3, v3  }
0x107: {  	vm4 =	vlt.f32 v2, $9.765625000e-04;
	v3 =	vsel vm15, $0x41B504F3, v3  }
0x108: {  	vm5 =	vlt.f32 v2, $2.441406250e-04;
	v3 =	vsel vm4, $0x423504F3, v3  }
0x109: {  	vm6 =	vlt.f32 v2, $6.103515630e-05;
	v3 =	vsel vm5, $0x42B504F3, v3  }
0x10a: {  	vm7 =	vlt.f32 v2, $1.525878910e-05;
	v3 =	vsel vm6, $0x433504F3, v3  }
0x10b: {  	vm8 =	vlt.f32 v2, $3.814697270e-06;
	v3 =	vsel vm7, $0x43B504F3, v3  }
0x10c: {  	vm9 =	vlt.f32 v2, $9.536743160e-07;
	v56 =	vmul.f32 $5.000000000e-01, v2;
	v3 =	vsel vm8, $0x443504F3, v3  }
0x10d: {  	v3 =	vsel vm9, $0x44B504F3, v3  }
0x10e: {  	v57 =	vmul.f32 v3, v56;
	_ =	sdelay $0x1  }
0x10f: {  	v5 =	vmul.f32 v57, v3;
	_ =	sdelay $0x1  }
0x110: {  	v5 =	vsub.f32 $1.500000000e+00, v5;
	_ =	sdelay $0x1  }
0x111: {  	v3 =	vmul.f32 v5, v3;
	_ =	sdelay $0x1  }
0x112: {  	v5 =	vmul.f32 v3, v56;
	_ =	sdelay $0x1  }
0x113: {  	v5 =	vmul.f32 v5, v3;
	_ =	sdelay $0x1  }
0x114: {  	v5 =	vsub.f32 $1.500000000e+00, v5;
	_ =	sdelay $0x1  }
0x115: {  	v3 =	vmul.f32 v5, v3;
	_ =	sdelay $0x1  }
0x116: {  	v5 =	vmul.f32 v3, v56;
	_ =	sdelay $0x1  }
0x117: {  	v5 =	vmul.f32 v5, v3;
	_ =	sdelay $0x1  }
0x118: {  	v5 =	vsub.f32 $1.500000000e+00, v5;
	_ =	sdelay $0x1  }
0x119: {  	v3 =	vmul.f32 v5, v3;
	_ =	sdelay $0x1  }
0x11a: {  	v5 =	vmul.f32 v3, v56;
	_ =	sdelay $0x1  }
0x11b: {  	v5 =	vmul.f32 v5, v3;
	_ =	sdelay $0x1  }
0x11c: {  	v5 =	vsub.f32 $1.500000000e+00, v5;
	_ =	sdelay $0x1  }
0x11d: {  	v3 =	vmul.f32 v5, v3;
	_ =	sdelay $0x1  }
0x11e: {  	v4 =	vmul.f32 v3, v56;
	_ =	sdelay $0x1  }
0x11f: {  	v4 =	vmul.f32 v4, v3;
	_ =	sdelay $0x1  }
0x120: {  	v4 =	vsub.f32 $1.500000000e+00, v4;
	_ =	sdelay $0x1  }
0x121: {  	v3 =	vmul.f32 v4, v3;
	_ =	sdelay $0x1  }
0x122: {  	v2 =	vmul.f32 v3, v2;
	_ =	sdelay $0x1  }
0x123: {  	v1 =	vmul.f32 $5.616528320e+01, v1;
	v2 =	vmul.f32 $3.068323520e+01, v2;
	_ =	sdelay $0x1  }
0x124: {  	v1 =	vsub.f32 v1, v2;
	_ =	sdelay $0x1  }
0x125: {  	s17 =	sand.u32 $0x70, s17;
	[tilespmem:$0x24C0] =	vst v1  }
0x126: {  	v1 =	vld [tilespmem:s17+$0x1B00];
	_ =	sdelay $0x4  }
0x127: {  	v1 =	vmax.f32 v1, $-9.999989860e-01  }
0x128: {  	v1 =	vmin.f32 v1, $9.999989860e-01  }
0x129: {  	v2 =	vmul.f32 v1, v1;
	_ =	sdelay $0x1  }
0x12a: {  	v2 =	vsub.f32 $1.000000000e+00, v2;
	_ =	sdelay $0x1  }
0x12b: {  	vm10 =	vlt.f32 v2, $2.500000000e-01  }
0x12c: {  	vm11 =	vlt.f32 v2, $6.250000000e-02;
	v3 =	vsel vm10, $0x403504F3, v0  }
0x12d: {  	vm12 =	vlt.f32 v2, $1.562500000e-02;
	v3 =	vsel vm11, $0x40B504F3, v3  }
0x12e: {  	vm13 =	vlt.f32 v2, $3.906250000e-03;
	v3 =	vsel vm12, $0x413504F3, v3  }
0x12f: {  	vm14 =	vlt.f32 v2, $9.765625000e-04;
	v3 =	vsel vm13, $0x41B504F3, v3  }
0x130: {  	vm15 =	vlt.f32 v2, $2.441406250e-04;
	v3 =	vsel vm14, $0x423504F3, v3  }
0x131: {  	vm4 =	vlt.f32 v2, $6.103515630e-05;
	v3 =	vsel vm15, $0x42B504F3, v3  }
0x132: {  	vm5 =	vlt.f32 v2, $1.525878910e-05;
	v3 =	vsel vm4, $0x433504F3, v3  }
0x133: {  	vm6 =	vlt.f32 v2, $3.814697270e-06;
	v3 =	vsel vm5, $0x43B504F3, v3  }
0x134: {  	vm7 =	vlt.f32 v2, $9.536743160e-07;
	v58 =	vmul.f32 $5.000000000e-01, v2;
	v3 =	vsel vm6, $0x443504F3, v3  }
0x135: {  	v3 =	vsel vm7, $0x44B504F3, v3  }
0x136: {  	v59 =	vmul.f32 v3, v58;
	_ =	sdelay $0x1  }
0x137: {  	v5 =	vmul.f32 v59, v3;
	_ =	sdelay $0x1  }
0x138: {  	v5 =	vsub.f32 $1.500000000e+00, v5;
	_ =	sdelay $0x1  }
0x139: {  	v3 =	vmul.f32 v5, v3;
	_ =	sdelay $0x1  }
0x13a: {  	v5 =	vmul.f32 v3, v58;
	_ =	sdelay $0x1  }
0x13b: {  	v5 =	vmul.f32 v5, v3;
	_ =	sdelay $0x1  }
0x13c: {  	v5 =	vsub.f32 $1.500000000e+00, v5;
	_ =	sdelay $0x1  }
0x13d: {  	v3 =	vmul.f32 v5, v3;
	_ =	sdelay $0x1  }
0x13e: {  	v5 =	vmul.f32 v3, v58;
	_ =	sdelay $0x1  }
0x13f: {  	v5 =	vmul.f32 v5, v3;
	_ =	sdelay $0x1  }
0x140: {  	v5 =	vsub.f32 $1.500000000e+00, v5;
	_ =	sdelay $0x1  }
0x141: {  	v3 =	vmul.f32 v5, v3;
	_ =	sdelay $0x1  }
0x142: {  	v5 =	vmul.f32 v3, v58;
	_ =	sdelay $0x1  }
0x143: {  	v5 =	vmul.f32 v5, v3;
	_ =	sdelay $0x1  }
0x144: {  	v5 =	vsub.f32 $1.500000000e+00, v5;
	_ =	sdelay $0x1  }
0x145: {  	v3 =	vmul.f32 v5, v3;
	_ =	sdelay $0x1  }
0x146: {  	v4 =	vmul.f32 v3, v58;
	_ =	sdelay $0x1  }
0x147: {  	v4 =	vmul.f32 v4, v3;
	_ =	sdelay $0x1  }
0x148: {  	v4 =	vsub.f32 $1.500000000e+00, v4;
	_ =	sdelay $0x1  }
0x149: {  	v3 =	vmul.f32 v4, v3;
	_ =	sdelay $0x1  }
0x14a: {  	v2 =	vmul.f32 v3, v2;
	_ =	sdelay $0x1  }
0x14b: {  	v1 =	vmul.f32 $5.616528320e+01, v1;
	v2 =	vmul.f32 $3.068323520e+01, v2;
	_ =	sdelay $0x1  }
0x14c: {  	v1 =	vsub.f32 v1, v2;
	_ =	sdelay $0x1  }
0x14d: {  	s16 =	sand.u32 $0x70, s31;
	[tilespmem:$0x24D0] =	vst v1  }
0x14e: {  	v1 =	vld [tilespmem:s16+$0x1F80];
	_ =	sdelay $0x4  }
0x14f: {  	v1 =	vmax.f32 v1, $-9.999989860e-01  }
0x150: {  	v1 =	vmin.f32 v1, $9.999989860e-01  }
0x151: {  	v2 =	vmul.f32 v1, v1;
	_ =	sdelay $0x1  }
0x152: {  	v2 =	vsub.f32 $1.000000000e+00, v2;
	_ =	sdelay $0x1  }
0x153: {  	vm8 =	vlt.f32 v2, $2.500000000e-01  }
0x154: {  	vm9 =	vlt.f32 v2, $6.250000000e-02;
	v3 =	vsel vm8, $0x403504F3, v0  }
0x155: {  	vm10 =	vlt.f32 v2, $1.562500000e-02;
	v3 =	vsel vm9, $0x40B504F3, v3  }
0x156: {  	vm11 =	vlt.f32 v2, $3.906250000e-03;
	v3 =	vsel vm10, $0x413504F3, v3  }
0x157: {  	vm12 =	vlt.f32 v2, $9.765625000e-04;
	v3 =	vsel vm11, $0x41B504F3, v3  }
0x158: {  	vm13 =	vlt.f32 v2, $2.441406250e-04;
	v3 =	vsel vm12, $0x423504F3, v3  }
0x159: {  	vm14 =	vlt.f32 v2, $6.103515630e-05;
	v3 =	vsel vm13, $0x42B504F3, v3  }
0x15a: {  	vm15 =	vlt.f32 v2, $1.525878910e-05;
	v3 =	vsel vm14, $0x433504F3, v3  }
0x15b: {  	vm4 =	vlt.f32 v2, $3.814697270e-06;
	v3 =	vsel vm15, $0x43B504F3, v3  }
0x15c: {  	vm5 =	vlt.f32 v2, $9.536743160e-07;
	v60 =	vmul.f32 $5.000000000e-01, v2;
	v3 =	vsel vm4, $0x443504F3, v3  }
0x15d: {  	v3 =	vsel vm5, $0x44B504F3, v3  }
0x15e: {  	v61 =	vmul.f32 v3, v60;
	_ =	sdelay $0x1  }
0x15f: {  	v5 =	vmul.f32 v61, v3;
	_ =	sdelay $0x1  }
0x160: {  	v5 =	vsub.f32 $1.500000000e+00, v5;
	_ =	sdelay $0x1  }
0x161: {  	v3 =	vmul.f32 v5, v3;
	_ =	sdelay $0x1  }
0x162: {  	v5 =	vmul.f32 v3, v60;
	_ =	sdelay $0x1  }
0x163: {  	v5 =	vmul.f32 v5, v3;
	_ =	sdelay $0x1  }
0x164: {  	v5 =	vsub.f32 $1.500000000e+00, v5;
	_ =	sdelay $0x1  }
0x165: {  	v3 =	vmul.f32 v5, v3;
	_ =	sdelay $0x1  }
0x166: {  	v5 =	vmul.f32 v3, v60;
	_ =	sdelay $0x1  }
0x167: {  	v5 =	vmul.f32 v5, v3;
	_ =	sdelay $0x1  }
0x168: {  	v5 =	vsub.f32 $1.500000000e+00, v5;
	_ =	sdelay $0x1  }
0x169: {  	v3 =	vmul.f32 v5, v3;
	_ =	sdelay $0x1  }
0x16a: {  	v5 =	vmul.f32 v3, v60;
	_ =	sdelay $0x1  }
0x16b: {  	v5 =	vmul.f32 v5, v3;
	_ =	sdelay $0x1  }
0x16c: {  	v5 =	vsub.f32 $1.500000000e+00, v5;
	_ =	sdelay $0x1  }
0x16d: {  	v3 =	vmul.f32 v5, v3;
	_ =	sdelay $0x1  }
0x16e: {  	v4 =	vmul.f32 v3, v60;
	_ =	sdelay $0x1  }
0x16f: {  	v4 =	vmul.f32 v4, v3;
	_ =	sdelay $0x1  }
0x170: {  	v4 =	vsub.f32 $1.500000000e+00, v4;
	_ =	sdelay $0x1  }
0x171: {  	v3 =	vmul.f32 v4, v3;
	_ =	sdelay $0x1  }
0x172: {  	v2 =	vmul.f32 v3, v2;
	_ =	sdelay $0x1  }
0x173: {  	v1 =	vmul.f32 $5.616528320e+01, v1;
	v2 =	vmul.f32 $3.068323520e+01, v2;
	_ =	sdelay $0x1  }
0x174: {  	v1 =	vsub.f32 v1, v2;
	_ =	sdelay $0x1  }
0x175: {  	s15 =	sand.u32 $0x70, s28;
	[tilespmem:$0x24E0] =	vst v1  }
0x176: {  	v1 =	vld [tilespmem:s15+$0x2400];
	_ =	sdelay $0x4  }
0x177: {  	v1 =	vmax.f32 v1, $-9.999989860e-01  }
0x178: {  	v1 =	vmin.f32 v1, $9.999989860e-01  }
0x179: {  	v2 =	vmul.f32 v1, v1;
	_ =	sdelay $0x1  }
0x17a: {  	v2 =	vsub.f32 $1.000000000e+00, v2;
	_ =	sdelay $0x1  }
0x17b: {  	vm6 =	vlt.f32 v2, $2.500000000e-01  }
0x17c: {  	vm7 =	vlt.f32 v2, $6.250000000e-02;
	v3 =	vsel vm6, $0x403504F3, v0  }
0x17d: {  	vm8 =	vlt.f32 v2, $1.562500000e-02;
	v3 =	vsel vm7, $0x40B504F3, v3  }
0x17e: {  	vm9 =	vlt.f32 v2, $3.906250000e-03;
	v3 =	vsel vm8, $0x413504F3, v3  }
0x17f: {  	vm10 =	vlt.f32 v2, $9.765625000e-04;
	v3 =	vsel vm9, $0x41B504F3, v3  }
0x180: {  	vm11 =	vlt.f32 v2, $2.441406250e-04;
	v3 =	vsel vm10, $0x423504F3, v3  }
0x181: {  	vm12 =	vlt.f32 v2, $6.103515630e-05;
	v3 =	vsel vm11, $0x42B504F3, v3  }
0x182: {  	vm13 =	vlt.f32 v2, $1.525878910e-05;
	v3 =	vsel vm12, $0x433504F3, v3  }
0x183: {  	vm14 =	vlt.f32 v2, $3.814697270e-06;
	v3 =	vsel vm13, $0x43B504F3, v3  }
0x184: {  	vm15 =	vlt.f32 v2, $9.536743160e-07;
	v62 =	vmul.f32 $5.000000000e-01, v2;
	v3 =	vsel vm14, $0x443504F3, v3  }
0x185: {  	v3 =	vsel vm15, $0x44B504F3, v3  }
0x186: {  	v63 =	vmul.f32 v3, v62;
	_ =	sdelay $0x1  }
0x187: {  	v5 =	vmul.f32 v63, v3;
	_ =	sdelay $0x1  }
0x188: {  	v5 =	vsub.f32 $1.500000000e+00, v5;
	_ =	sdelay $0x1  }
0x189: {  	v3 =	vmul.f32 v5, v3;
	_ =	sdelay $0x1  }
0x18a: {  	v5 =	vmul.f32 v3, v62;
	_ =	sdelay $0x1  }
0x18b: {  	v5 =	vmul.f32 v5, v3;
	_ =	sdelay $0x1  }
0x18c: {  	v5 =	vsub.f32 $1.500000000e+00, v5;
	_ =	sdelay $0x1  }
0x18d: {  	v3 =	vmul.f32 v5, v3;
	_ =	sdelay $0x1  }
0x18e: {  	v5 =	vmul.f32 v3, v62;
	_ =	sdelay $0x1  }
0x18f: {  	v5 =	vmul.f32 v5, v3;
	_ =	sdelay $0x1  }
0x190: {  	v5 =	vsub.f32 $1.500000000e+00, v5;
	_ =	sdelay $0x1  }
0x191: {  	v3 =	vmul.f32 v5, v3;
	_ =	sdelay $0x1  }
0x192: {  	v5 =	vmul.f32 v3, v62;
	_ =	sdelay $0x1  }
0x193: {  	v5 =	vmul.f32 v5, v3;
	_ =	sdelay $0x1  }
0x194: {  	v5 =	vsub.f32 $1.500000000e+00, v5;
	_ =	sdelay $0x1  }
0x195: {  	v3 =	vmul.f32 v5, v3;
	_ =	sdelay $0x1  }
0x196: {  	v4 =	vmul.f32 v3, v62;
	_ =	sdelay $0x1  }
0x197: {  	v4 =	vmul.f32 v4, v3;
	_ =	sdelay $0x1  }
0x198: {  	v4 =	vsub.f32 $1.500000000e+00, v4;
	_ =	sdelay $0x1  }
0x199: {  	v3 =	vmul.f32 v4, v3;
	_ =	sdelay $0x1  }
0x19a: {  	v2 =	vmul.f32 v3, v2;
	_ =	sdelay $0x1  }
0x19b: {  	v1 =	vmul.f32 $5.616528320e+01, v1;
	v2 =	vmul.f32 $3.068323520e+01, v2;
	_ =	sdelay $0x1  }
0x19c: {  	v1 =	vsub.f32 v1, v2  }
0x19d: {  	p0 =	sne.s32 s14, $0x24A800  }
.Ltmp0:
0x19e: {  	s31 =	rddreg [dreg:$0xd];
	[tilespmem:$0x24F0] =	vst v1;
	(pc) =	sbr.rel @p0 .LBB2_2-.Ltmp0, $4  }
0x19f: {  	[hbm4b:s13+s3] =	stream.linear.scatter [tilespmem:s31], [sflag:$0x2], $0x80, $0x38;
	[tilespmem:$0x2500] =	vst v63  }
0x1a0: {  	_ =	swait.ge [sflag:s10], $0x80  }
0x1a1: {  	s12 =	sadd.s32 $0x8, s12;
	[sflag:s10] =	ssyncset.done $0x0  }
0x1a2: {  	s14 =	sadd.s32 $0xC3800, s14;
	s13 =	sadd.s32 $0x10, s13;
	[sflag:s10] =	ssyncadd.s32 $0xFFFFFF80  }
0x1a3: {  	s11 =	sadd.s32 $0x1, s11  }
0x1a4: {  	p0 =	sne.s32 s11, s5  }
.Ltmp1:
0x1a5: {  	_ = 	snop;
	(pc) =	sbr.rel @p0 .LBB2_1-.Ltmp1, $1  }
0x1a6: {  	_ =	sdelay $0x3  }
0x1a7: {  	_ =	sfence.sel $0x180000  }
0x1a8: {  	[bflag:$0x0] =	sbarrier.arrive $0xFFFF  }
0x1a9: {  	p0 =	sne.s32 s1, $0x0;
	_ =	strace $0x90000047  }
0x1aa: {  	s0 =	sadd.s32 @!p0 $0x100000, s0;
	[bflag:$0x2] =	sbarrier.arrive $0xFFFF  }
0x1ab: {  	[sflag:s0] =	ssyncadd.tile.s32 @!p0 $0x1;
	_ =	shalt  }
.Lfunc_end2:
_tile_overlayer_lowered:
.L_overlay_start_2:
0x1ac: {  	(tag) =	ssettag $0x2  }
0x1ad: {  	s0 =	rddreg [dreg:$0x0];
	s2 =	stileid.u32  }
0x1ae: {  	s1 =	rddreg [dreg:$0x1];
	p0 =	sne.s32 s2, $0x0  }
0x1af: {  	s3 =	rddreg [dreg:$0x2];
	[bflag:$0x3] =	sbarrier.arrive $0xFFFF;
	s2 =	simm.s32 @!p0 $0x1C03  }
0x1b0: {  	[timem:s3], [sflag:s2] =	dma.local @!p0 [hbm:s0], s1  }
0x1b1: {  	s0 =	simm.s32 @!p0 $0x3  }
0x1b2: {  	_ =	swait.ge @!p0 [sflag:s0], s1  }
0x1b3: {  	s1 =	ssub.s32 @!p0 $0x0, s1;
	[sflag:s0] =	ssyncset.done @!p0 $0x0  }
0x1b4: {  	[sflag:s0] =	ssyncadd.s32 @!p0 s1  }
0x1b5: {  	[bflag:$0x3] =	sbarrier.arrive $0xFFFF  }
0x1b6: {  	_ =	shalt  }

</sc_bundles>
